<compile_context>
chip_gen: v7x
topology: tpu7x:2x2x1
jax: 0.10.2.dev20260603
libtpu: 0.0.44.dev20260713+nightly
codegen_flags: <defaults>
</compile_context>

<pallas_src>
import functools

import jax
import jax.numpy as jnp
from jax import lax
from jax.experimental import pallas as pl
from jax.experimental.pallas import tpu as pltpu
from jax.experimental.pallas import tpu_sc as plsc

N = 10000
E = 320000
D = 128

NC = 2
NS = 16
NW = NC * NS
EPW = E // NW
K = 80
IT = EPW // K
PAIRS = (IT - 1) // 2
NPAD = 10112
NPS = NPAD // NS
DW = 128

@functools.cache
def _mesh():
    return plsc.VectorSubcoreMesh(
        core_axis_name="c", subcore_axis_name="s", num_cores=NC, num_subcores=NS
    )


@functools.cache
def _deg_kernel():
    return pl.kernel(
        _deg_body,
        out_type=jax.ShapeDtypeStruct((NC, NPAD, DW), jnp.float32),
        mesh=_mesh(),
        scratch_types=[
            pltpu.VMEM((IT, K), jnp.int32),
            pltpu.VMEM((K, DW), jnp.float32),
            pltpu.VMEM_SHARED((NPAD, DW), jnp.float32),
            pltpu.SemaphoreType.DMA,
        ],
    )


def _deg_body(dst_hbm, ones_hbm, zeros_hbm, out_hbm, dst_v, ones_v, acc, sem):
    c = lax.axis_index("c")
    s = lax.axis_index("s")
    wid = s * NC + c
    pltpu.sync_copy(zeros_hbm.at[pl.ds(s * NPS, NPS)], acc.at[pl.ds(s * NPS, NPS)])
    pltpu.sync_copy(ones_hbm, ones_v)
    pltpu.sync_copy(dst_hbm.at[wid], dst_v)
    plsc.subcore_barrier()

    def body(i, carry):
        pltpu.async_copy(ones_v, acc.at[dst_v.at[i]], sem, add=True)
        return carry

    lax.fori_loop(0, IT, body, 0)

    def drain(i, carry):
        pltpu.make_async_copy(ones_v, acc.at[dst_v.at[0]], sem).wait()
        return carry

    lax.fori_loop(0, IT, drain, 0)
    plsc.subcore_barrier()
    pltpu.sync_copy(acc.at[pl.ds(s * NPS, NPS)], out_hbm.at[c, pl.ds(s * NPS, NPS)])


@functools.cache
def _agg_kernel():
    return pl.kernel(
        _agg_body,
        out_type=jax.ShapeDtypeStruct((NC, NPAD, D), jnp.float32),
        mesh=_mesh(),
        scratch_types=[
            pltpu.VMEM((EPW,), jnp.int32),
            pltpu.VMEM((IT, K), jnp.int32),
            pltpu.VMEM((K, D), jnp.float32),
            pltpu.VMEM((K, D), jnp.float32),
            pltpu.VMEM_SHARED((NPAD, D), jnp.float32),
            pltpu.SemaphoreType.DMA,
            pltpu.SemaphoreType.DMA,
            pltpu.SemaphoreType.DMA,
        ],
    )


def _agg_body(y_hbm, src_hbm, dst_hbm, zeros_hbm, out_hbm,
              src_v, dst_v, rows0, rows1, acc, sem0, sem1, semz):
    c = lax.axis_index("c")
    s = lax.axis_index("s")
    wid = s * NC + c
    pltpu.async_copy(zeros_hbm.at[pl.ds(s * NPS, NPS)], acc.at[pl.ds(s * NPS, NPS)], semz)
    pltpu.async_copy(src_hbm.at[wid], src_v, sem0)
    pltpu.async_copy(dst_hbm.at[wid], dst_v, sem1)
    pltpu.make_async_copy(src_hbm.at[wid], src_v, sem0).wait()
    pltpu.async_copy(y_hbm.at[src_v.at[pl.ds(0, K)]], rows0, sem0)
    pltpu.make_async_copy(dst_hbm.at[wid], dst_v, sem1).wait()
    pltpu.make_async_copy(zeros_hbm.at[pl.ds(s * NPS, NPS)], acc.at[pl.ds(s * NPS, NPS)], semz).wait()
    plsc.subcore_barrier()

    def pair(j, carry):
        i0 = 2 * j
        pltpu.async_copy(y_hbm.at[src_v.at[pl.ds((i0 + 1) * K, K)]], rows1, sem1)
        pltpu.make_async_copy(y_hbm.at[src_v.at[pl.ds(i0 * K, K)]], rows0, sem0).wait()
        pltpu.sync_copy(rows0, acc.at[dst_v.at[i0]], add=True)
        pltpu.async_copy(y_hbm.at[src_v.at[pl.ds((i0 + 2) * K, K)]], rows0, sem0)
        pltpu.make_async_copy(y_hbm.at[src_v.at[pl.ds((i0 + 1) * K, K)]], rows1, sem1).wait()
        pltpu.sync_copy(rows1, acc.at[dst_v.at[i0 + 1]], add=True)
        return carry

    lax.fori_loop(0, PAIRS, pair, 0)
    pltpu.make_async_copy(y_hbm.at[src_v.at[pl.ds((IT - 1) * K, K)]], rows0, sem0).wait()
    pltpu.sync_copy(rows0, acc.at[dst_v.at[IT - 1]], add=True)
    plsc.subcore_barrier()
    pltpu.sync_copy(acc.at[pl.ds(s * NPS, NPS)], out_hbm.at[c, pl.ds(s * NPS, NPS)])


RB = 2000


def _tc1_body(x_ref, w_ref, degp_ref, y_ref, dis_ref):
    deg = degp_ref[0, :, 0:1] + degp_ref[1, :, 0:1] + 1.0
    dis = lax.rsqrt(deg)
    xw = jnp.dot(x_ref[...], w_ref[...], preferred_element_type=jnp.float32)
    y_ref[...] = xw * dis
    dis_ref[...] = dis


def _tc1(x, w1, degp):
    return pl.pallas_call(
        _tc1_body,
        grid=(N // RB,),
        in_specs=[
            pl.BlockSpec((RB, D), lambda i: (i, 0)),
            pl.BlockSpec((D, D), lambda i: (0, 0)),
            pl.BlockSpec((NC, RB, DW), lambda i: (0, i, 0)),
        ],
        out_specs=[
            pl.BlockSpec((RB, D), lambda i: (i, 0)),
            pl.BlockSpec((RB, 1), lambda i: (i, 0)),
        ],
        out_shape=[
            jax.ShapeDtypeStruct((N, D), jnp.float32),
            jax.ShapeDtypeStruct((N, 1), jnp.float32),
        ],
    )(x, w1, degp)


def _tc2_body(p_ref, y_ref, dis_ref, b_ref, w_ref, y2_ref):
    dis = dis_ref[...]
    h = dis * (p_ref[0, :, :] + p_ref[1, :, :] + y_ref[...]) + b_ref[...]
    h = jnp.maximum(h, 0.0)
    y2_ref[...] = jnp.dot(h, w_ref[...], preferred_element_type=jnp.float32) * dis


def _tc2(p, y, dis, b1, w2):
    return pl.pallas_call(
        _tc2_body,
        grid=(N // RB,),
        in_specs=[
            pl.BlockSpec((NC, RB, D), lambda i: (0, i, 0)),
            pl.BlockSpec((RB, D), lambda i: (i, 0)),
            pl.BlockSpec((RB, 1), lambda i: (i, 0)),
            pl.BlockSpec((1, D), lambda i: (0, 0)),
            pl.BlockSpec((D, D), lambda i: (0, 0)),
        ],
        out_specs=pl.BlockSpec((RB, D), lambda i: (i, 0)),
        out_shape=jax.ShapeDtypeStruct((N, D), jnp.float32),
    )(p, y, dis, b1, w2)


def _tc3_body(p_ref, y_ref, dis_ref, b_ref, o_ref):
    o = dis_ref[...] * (p_ref[0, :, :] + p_ref[1, :, :] + y_ref[...]) + b_ref[...]
    m = jnp.max(o, axis=1, keepdims=True)
    lse = jnp.log(jnp.sum(jnp.exp(o - m), axis=1, keepdims=True)) + m
    o_ref[...] = o - lse


def _tc3(p, y, dis, b2):
    return pl.pallas_call(
        _tc3_body,
        grid=(N // RB,),
        in_specs=[
            pl.BlockSpec((NC, RB, D), lambda i: (0, i, 0)),
            pl.BlockSpec((RB, D), lambda i: (i, 0)),
            pl.BlockSpec((RB, 1), lambda i: (i, 0)),
            pl.BlockSpec((1, D), lambda i: (0, 0)),
        ],
        out_specs=pl.BlockSpec((RB, D), lambda i: (i, 0)),
        out_shape=jax.ShapeDtypeStruct((N, D), jnp.float32),
    )(p, y, dis, b2)


def kernel(x, edge_index, W1, b1, W2, b2):
    src = edge_index[0].reshape(NW, EPW)
    dst = edge_index[1].reshape(NW, IT, K)
    onesW = jnp.ones((K, DW), jnp.float32)
    zerosW = jnp.zeros((NPAD, DW), jnp.float32)
    zerosD = jnp.zeros((NPAD, D), jnp.float32)

    degp = _deg_kernel()(dst, onesW, zerosW)
    y1, dis = _tc1(x, W1, degp)
    p1 = _agg_kernel()(y1, src, dst, zerosD)
    y2 = _tc2(p1, y1, dis, b1.reshape(1, D), W2)
    p2 = _agg_kernel()(y2, src, dst, zerosD)
    return _tc3(p2, y2, dis, b2.reshape(1, D))

# --- scband reference (transcript-rebuilt; emitter-appended) ---
"""Pipeline reference for scband-gcn-16724602651052 (READ-ONLY COPY).

The authoritative reference and input builder live on the scoring server;
editing this copy changes nothing except your own understanding.
"""

import jax, jax.numpy as jnp
import numpy as np

N = 10000
E = 320000
DIN = 128
DH = 128
DOUT = 128


def setup_inputs(seed: int = 0) -> dict:
    key = jax.random.key(seed)
    k1, k2, k3, k4, k5, k6 = jax.random.split(key, 6)
    x = jax.random.normal(k1, (N, DIN), dtype=jnp.float32)
    edge_index = jax.random.randint(k2, (2, E), 0, N, dtype=jnp.int32)
    W1 = jax.random.normal(k3, (DIN, DH), dtype=jnp.float32) * (1.0 / np.sqrt(DIN))
    b1 = jnp.zeros((DH,), dtype=jnp.float32)
    W2 = jax.random.normal(k4, (DH, DOUT), dtype=jnp.float32) * (1.0 / np.sqrt(DH))
    b2 = jnp.zeros((DOUT,), dtype=jnp.float32)
    return {"x": x, "edge_index": edge_index, "W1": W1, "b1": b1, "W2": W2, "b2": b2}


def _gcn_conv(x, edge_index, W, b, n_nodes):
    # GCNConv: out = D^{-1/2} (A + I) D^{-1/2} X W + b
    self_loops = jnp.arange(n_nodes, dtype=edge_index.dtype)
    src = jnp.concatenate([edge_index[0], self_loops])
    dst = jnp.concatenate([edge_index[1], self_loops])
    ones = jnp.ones(src.shape[0], dtype=x.dtype)
    deg = jax.ops.segment_sum(ones, dst, num_segments=n_nodes)
    deg_inv_sqrt = jnp.where(deg > 0, jax.lax.rsqrt(jnp.maximum(deg, 1e-12)), 0.0)
    norm = deg_inv_sqrt[src] * deg_inv_sqrt[dst]
    xw = x @ W
    msgs = xw[src] * norm[:, None]
    out = jax.ops.segment_sum(msgs, dst, num_segments=n_nodes)
    return out + b


def reference(x, edge_index, W1, b1, W2, b2):
    h = _gcn_conv(x, edge_index, W1, b1, N)
    h = jax.nn.relu(h)
    h = _gcn_conv(h, edge_index, W2, b2, N)
    return jax.nn.log_softmax(h, axis=1)

if __name__ == "__main__":
    import jax
    _d = setup_inputs()
    print(jax.jit(kernel)(*tuple(_d.values())))

</pallas_src>

<mosaic_0001>
#map = affine_map<(d0, d1) -> (0, 0)>
#map1 = affine_map<(d0, d1) -> (0, 0, 0)>
module attributes {stable_mosaic.version = 14 : i64} {
  func.func @_agg_body(%arg0: i32, %arg1: i32, %arg2: memref<10000x128xf32, #tpu.memory_space<hbm>>, %arg3: memref<32x10000xi32, #tpu.memory_space<hbm>>, %arg4: memref<32x125x80xi32, #tpu.memory_space<hbm>>, %arg5: memref<10112x128xf32, #tpu.memory_space<hbm>>, %arg6: memref<2x10112x128xf32, #tpu.memory_space<hbm>>, %arg7: memref<10000xi32, #tpu.memory_space<vmem>>, %arg8: memref<125x80xi32, #tpu.memory_space<vmem>>, %arg9: memref<80x128xf32, #tpu.memory_space<vmem>>, %arg10: memref<80x128xf32, #tpu.memory_space<vmem>>, %arg11: memref<10112x128xf32, #tpu.memory_space<vmem_shared>>, %arg12: memref<!tpu.dma_semaphore, #tpu.memory_space<semaphore_mem>>, %arg13: memref<!tpu.dma_semaphore, #tpu.memory_space<semaphore_mem>>, %arg14: memref<!tpu.dma_semaphore, #tpu.memory_space<semaphore_mem>>) attributes {dimension_semantics = [#tpu.dimension_semantics<core_parallel>, #tpu.dimension_semantics<subcore_parallel>], iteration_bounds = array<i64: 2, 16>, scalar_prefetch = 0 : i64, scratch_operands = 8 : i64, tpu.core_type = #tpu.core_type<sc_vector_subcore>, window_params = [{transform_indices = #map}, {transform_indices = #map}, {transform_indices = #map1}, {transform_indices = #map}, {transform_indices = #map1}]} {
    %mul3A = arith.constant 2 : i32
    %mul3A_0 = arith.muli %arg1, %mul3A : i32
    %add3A = arith.addi %mul3A_0, %arg0 : i32
    %mul3A_1 = arith.constant 632 : i32
    %mul3A_2 = arith.muli %arg1, %mul3A_1 : i32
    %mul3A_3 = arith.constant 632 : i32
    %mul3A_4 = arith.muli %arg1, %mul3A_3 : i32
    %dma_start3A = arith.constant 0 : i32
    %dma_start3A_5 = tpu.memref_slice %arg11[%mul3A_4, %dma_start3A] : memref<10112x128xf32, #tpu.memory_space<vmem_shared>> -> memref<632x128xf32, #tpu.memory_space<vmem_shared>>
    %dma_start3A_6 = arith.constant 0 : i32
    %dma_start3A_7 = tpu.memref_slice %arg5[%mul3A_2, %dma_start3A_6] : memref<10112x128xf32, #tpu.memory_space<hbm>> -> memref<632x128xf32, #tpu.memory_space<hbm>>
    tpu.enqueue_dma source(%dma_start3A_7 : memref<632x128xf32, #tpu.memory_space<hbm>>) target(%dma_start3A_5 : memref<632x128xf32, #tpu.memory_space<vmem_shared>>) target_semaphore(%arg14 : memref<!tpu.dma_semaphore, #tpu.memory_space<semaphore_mem>>)
    %dma_start3A_8 = arith.constant 0 : i32
    %dma_start3A_9 = tpu.memref_slice %arg3[%add3A, %dma_start3A_8] : memref<32x10000xi32, #tpu.memory_space<hbm>> -> memref<1x10000xi32, #tpu.memory_space<hbm>>
    %dma_start3A_10 = tpu.memref_squeeze %dma_start3A_9 : memref<1x10000xi32, #tpu.memory_space<hbm>> -> memref<10000xi32, #tpu.memory_space<hbm>>
    %dma_start3A_11 = arith.constant 0 : i32
    %dma_start3A_12 = tpu.memref_slice %arg3[%add3A, %dma_start3A_11] : memref<32x10000xi32, #tpu.memory_space<hbm>> -> memref<1x10000xi32, #tpu.memory_space<hbm>>
    %dma_start3A_13 = tpu.memref_squeeze %dma_start3A_12 : memref<1x10000xi32, #tpu.memory_space<hbm>> -> memref<10000xi32, #tpu.memory_space<hbm>>
    tpu.enqueue_dma source(%dma_start3A_13 : memref<10000xi32, #tpu.memory_space<hbm>>) target(%arg7 : memref<10000xi32, #tpu.memory_space<vmem>>) target_semaphore(%arg12 : memref<!tpu.dma_semaphore, #tpu.memory_space<semaphore_mem>>)
    %dma_start3A_14 = arith.constant 0 : i32
    %dma_start3A_15 = arith.constant 0 : i32
    %dma_start3A_16 = tpu.memref_slice %arg4[%add3A, %dma_start3A_14, %dma_start3A_15] : memref<32x125x80xi32, #tpu.memory_space<hbm>> -> memref<1x125x80xi32, #tpu.memory_space<hbm>>
    %dma_start3A_17 = tpu.memref_squeeze %dma_start3A_16 : memref<1x125x80xi32, #tpu.memory_space<hbm>> -> memref<125x80xi32, #tpu.memory_space<hbm>>
    %dma_start3A_18 = arith.constant 0 : i32
    %dma_start3A_19 = arith.constant 0 : i32
    %dma_start3A_20 = tpu.memref_slice %arg4[%add3A, %dma_start3A_18, %dma_start3A_19] : memref<32x125x80xi32, #tpu.memory_space<hbm>> -> memref<1x125x80xi32, #tpu.memory_space<hbm>>
    %dma_start3A_21 = tpu.memref_squeeze %dma_start3A_20 : memref<1x125x80xi32, #tpu.memory_space<hbm>> -> memref<125x80xi32, #tpu.memory_space<hbm>>
    tpu.enqueue_dma source(%dma_start3A_21 : memref<125x80xi32, #tpu.memory_space<hbm>>) target(%arg8 : memref<125x80xi32, #tpu.memory_space<vmem>>) target_semaphore(%arg13 : memref<!tpu.dma_semaphore, #tpu.memory_space<semaphore_mem>>)
    %dma_wait3A = arith.constant 0 : i32
    %dma_wait3A_22 = tpu.memref_slice %arg3[%add3A, %dma_wait3A] : memref<32x10000xi32, #tpu.memory_space<hbm>> -> memref<1x10000xi32, #tpu.memory_space<hbm>>
    %dma_wait3A_23 = tpu.memref_squeeze %dma_wait3A_22 : memref<1x10000xi32, #tpu.memory_space<hbm>> -> memref<10000xi32, #tpu.memory_space<hbm>>
    %dma_wait3A_24 = arith.constant 0 : i32
    %dma_wait3A_25 = tpu.memref_slice %arg3[%add3A, %dma_wait3A_24] : memref<32x10000xi32, #tpu.memory_space<hbm>> -> memref<1x10000xi32, #tpu.memory_space<hbm>>
    %dma_wait3A_26 = tpu.memref_squeeze %dma_wait3A_25 : memref<1x10000xi32, #tpu.memory_space<hbm>> -> memref<10000xi32, #tpu.memory_space<hbm>>
    tpu.wait_dma2 semaphore(%arg12 : memref<!tpu.dma_semaphore, #tpu.memory_space<semaphore_mem>>) src(%dma_wait3A_26 : memref<10000xi32, #tpu.memory_space<hbm>>) dst(%arg7 : memref<10000xi32, #tpu.memory_space<vmem>>)
    %dma_start3A_27 = arith.constant 0 : i32
    %dma_start3A_28 = tpu.memref_slice %arg7[%dma_start3A_27] : memref<10000xi32, #tpu.memory_space<vmem>> -> memref<80xi32, #tpu.memory_space<vmem>>
    %dma_start3A_29 = arith.constant 0 : i32
    %dma_start3A_30 = arith.constant 0 : i32
    %dma_start3A_31 = tpu.memref_slice %arg2[%dma_start3A_29, %dma_start3A_30] : memref<10000x128xf32, #tpu.memory_space<hbm>> -> memref<10000x128xf32, #tpu.memory_space<hbm>>
    tpu.enqueue_indirect_dma source(%dma_start3A_31 : memref<10000x128xf32, #tpu.memory_space<hbm>>) target(%arg9 : memref<80x128xf32, #tpu.memory_space<vmem>>) offsets(%dma_start3A_28 : memref<80xi32, #tpu.memory_space<vmem>>) semaphore(%arg12 : memref<!tpu.dma_semaphore, #tpu.memory_space<semaphore_mem>>)
    %dma_wait3A_32 = arith.constant 0 : i32
    %dma_wait3A_33 = arith.constant 0 : i32
    %dma_wait3A_34 = tpu.memref_slice %arg4[%add3A, %dma_wait3A_32, %dma_wait3A_33] : memref<32x125x80xi32, #tpu.memory_space<hbm>> -> memref<1x125x80xi32, #tpu.memory_space<hbm>>
    %dma_wait3A_35 = tpu.memref_squeeze %dma_wait3A_34 : memref<1x125x80xi32, #tpu.memory_space<hbm>> -> memref<125x80xi32, #tpu.memory_space<hbm>>
    %dma_wait3A_36 = arith.constant 0 : i32
    %dma_wait3A_37 = arith.constant 0 : i32
    %dma_wait3A_38 = tpu.memref_slice %arg4[%add3A, %dma_wait3A_36, %dma_wait3A_37] : memref<32x125x80xi32, #tpu.memory_space<hbm>> -> memref<1x125x80xi32, #tpu.memory_space<hbm>>
    %dma_wait3A_39 = tpu.memref_squeeze %dma_wait3A_38 : memref<1x125x80xi32, #tpu.memory_space<hbm>> -> memref<125x80xi32, #tpu.memory_space<hbm>>
    tpu.wait_dma2 semaphore(%arg13 : memref<!tpu.dma_semaphore, #tpu.memory_space<semaphore_mem>>) src(%dma_wait3A_39 : memref<125x80xi32, #tpu.memory_space<hbm>>) dst(%arg8 : memref<125x80xi32, #tpu.memory_space<vmem>>)
    %mul3A_40 = arith.constant 632 : i32
    %mul3A_41 = arith.muli %arg1, %mul3A_40 : i32
    %mul3A_42 = arith.constant 632 : i32
    %mul3A_43 = arith.muli %arg1, %mul3A_42 : i32
    %dma_wait3A_44 = arith.constant 0 : i32
    %dma_wait3A_45 = tpu.memref_slice %arg11[%mul3A_43, %dma_wait3A_44] : memref<10112x128xf32, #tpu.memory_space<vmem_shared>> -> memref<632x128xf32, #tpu.memory_space<vmem_shared>>
    %dma_wait3A_46 = arith.constant 0 : i32
    %dma_wait3A_47 = tpu.memref_slice %arg5[%mul3A_41, %dma_wait3A_46] : memref<10112x128xf32, #tpu.memory_space<hbm>> -> memref<632x128xf32, #tpu.memory_space<hbm>>
    tpu.wait_dma2 semaphore(%arg14 : memref<!tpu.dma_semaphore, #tpu.memory_space<semaphore_mem>>) src(%dma_wait3A_47 : memref<632x128xf32, #tpu.memory_space<hbm>>) dst(%dma_wait3A_45 : memref<632x128xf32, #tpu.memory_space<vmem_shared>>)
    %barrier3A = arith.constant 0 : index
    tpu.barrier barrier_id(%barrier3A)
    %scan3A = arith.constant 0 : i32
    %scan3A_48 = arith.constant 0 : i32
    %scan3A_49 = arith.constant 62 : i32
    %scan3A_50 = arith.addi %scan3A_48, %scan3A_49 : i32
    %scan3A_51 = arith.constant 1 : i32
    scf.for %scan3A_63 = %scan3A_48 to %scan3A_50 step %scan3A_51  : i32 {
      %mul3A_64 = arith.constant 2 : i32
      %mul3A_65 = arith.muli %mul3A_64, %scan3A_63 : i32
      %add3A_66 = arith.constant 1 : i32
      %add3A_67 = arith.addi %mul3A_65, %add3A_66 : i32
      %mul3A_68 = arith.constant 80 : i32
      %mul3A_69 = arith.muli %add3A_67, %mul3A_68 : i32
      %dma_start3A_70 = tpu.memref_slice %arg7[%mul3A_69] : memref<10000xi32, #tpu.memory_space<vmem>> -> memref<80xi32, #tpu.memory_space<vmem>>
      %dma_start3A_71 = arith.constant 0 : i32
      %dma_start3A_72 = arith.constant 0 : i32
      %dma_start3A_73 = tpu.memref_slice %arg2[%dma_start3A_71, %dma_start3A_72] : memref<10000x128xf32, #tpu.memory_space<hbm>> -> memref<10000x128xf32, #tpu.memory_space<hbm>>
      tpu.enqueue_indirect_dma source(%dma_start3A_73 : memref<10000x128xf32, #tpu.memory_space<hbm>>) target(%arg10 : memref<80x128xf32, #tpu.memory_space<vmem>>) offsets(%dma_start3A_70 : memref<80xi32, #tpu.memory_space<vmem>>) semaphore(%arg13 : memref<!tpu.dma_semaphore, #tpu.memory_space<semaphore_mem>>)
      %mul3A_74 = arith.constant 80 : i32
      %mul3A_75 = arith.muli %mul3A_65, %mul3A_74 : i32
      %dma_wait3A_76 = tpu.memref_slice %arg7[%mul3A_75] : memref<10000xi32, #tpu.memory_space<vmem>> -> memref<80xi32, #tpu.memory_space<vmem>>
      %dma_wait3A_77 = arith.constant 0 : i32
      %dma_wait3A_78 = arith.constant 0 : i32
      %dma_wait3A_79 = tpu.memref_slice %arg2[%dma_wait3A_77, %dma_wait3A_78] : memref<10000x128xf32, #tpu.memory_space<hbm>> -> memref<10000x128xf32, #tpu.memory_space<hbm>>
      tpu.wait_indirect_dma semaphore(%arg12 : memref<!tpu.dma_semaphore, #tpu.memory_space<semaphore_mem>>) src(%dma_wait3A_79 : memref<10000x128xf32, #tpu.memory_space<hbm>>) dst(%arg9 : memref<80x128xf32, #tpu.memory_space<vmem>>)
      "tpu.region"() ({
        %run_scoped3A_98 = tpu.sem_alloc : memref<!tpu.dma_semaphore, #tpu.memory_space<semaphore_mem>>
        %dma_start3A_99 = arith.constant 0 : i32
        %dma_start3A_100 = tpu.memref_slice %arg8[%mul3A_65, %dma_start3A_99] : memref<125x80xi32, #tpu.memory_space<vmem>> -> memref<1x80xi32, #tpu.memory_space<vmem>>
        %dma_start3A_101 = tpu.memref_squeeze %dma_start3A_100 : memref<1x80xi32, #tpu.memory_space<vmem>> -> memref<80xi32, #tpu.memory_space<vmem>>
        %dma_start3A_102 = arith.constant 0 : i32
        %dma_start3A_103 = arith.constant 0 : i32
        %dma_start3A_104 = tpu.memref_slice %arg11[%dma_start3A_102, %dma_start3A_103] : memref<10112x128xf32, #tpu.memory_space<vmem_shared>> -> memref<10112x128xf32, #tpu.memory_space<vmem_shared>>
        tpu.enqueue_indirect_dma source(%arg9 : memref<80x128xf32, #tpu.memory_space<vmem>>) target(%dma_start3A_104 : memref<10112x128xf32, #tpu.memory_space<vmem_shared>>) offsets(%dma_start3A_101 : memref<80xi32, #tpu.memory_space<vmem>>) semaphore(%run_scoped3A_98 : memref<!tpu.dma_semaphore, #tpu.memory_space<semaphore_mem>>) {add = true}
        %dma_wait3A_105 = arith.constant 0 : i32
        %dma_wait3A_106 = tpu.memref_slice %arg8[%mul3A_65, %dma_wait3A_105] : memref<125x80xi32, #tpu.memory_space<vmem>> -> memref<1x80xi32, #tpu.memory_space<vmem>>
        %dma_wait3A_107 = tpu.memref_squeeze %dma_wait3A_106 : memref<1x80xi32, #tpu.memory_space<vmem>> -> memref<80xi32, #tpu.memory_space<vmem>>
        %dma_wait3A_108 = arith.constant 0 : i32
        %dma_wait3A_109 = arith.constant 0 : i32
        %dma_wait3A_110 = tpu.memref_slice %arg11[%dma_wait3A_108, %dma_wait3A_109] : memref<10112x128xf32, #tpu.memory_space<vmem_shared>> -> memref<10112x128xf32, #tpu.memory_space<vmem_shared>>
        tpu.wait_indirect_dma semaphore(%run_scoped3A_98 : memref<!tpu.dma_semaphore, #tpu.memory_space<semaphore_mem>>) src(%arg9 : memref<80x128xf32, #tpu.memory_space<vmem>>) dst(%dma_wait3A_110 : memref<10112x128xf32, #tpu.memory_space<vmem_shared>>)
        tpu.yield
      }) : () -> ()
      %add3A_80 = arith.constant 2 : i32
      %add3A_81 = arith.addi %mul3A_65, %add3A_80 : i32
      %mul3A_82 = arith.constant 80 : i32
      %mul3A_83 = arith.muli %add3A_81, %mul3A_82 : i32
      %dma_start3A_84 = tpu.memref_slice %arg7[%mul3A_83] : memref<10000xi32, #tpu.memory_space<vmem>> -> memref<80xi32, #tpu.memory_space<vmem>>
      %dma_start3A_85 = arith.constant 0 : i32
      %dma_start3A_86 = arith.constant 0 : i32
      %dma_start3A_87 = tpu.memref_slice %arg2[%dma_start3A_85, %dma_start3A_86] : memref<10000x128xf32, #tpu.memory_space<hbm>> -> memref<10000x128xf32, #tpu.memory_space<hbm>>
      tpu.enqueue_indirect_dma source(%dma_start3A_87 : memref<10000x128xf32, #tpu.memory_space<hbm>>) target(%arg9 : memref<80x128xf32, #tpu.memory_space<vmem>>) offsets(%dma_start3A_84 : memref<80xi32, #tpu.memory_space<vmem>>) semaphore(%arg12 : memref<!tpu.dma_semaphore, #tpu.memory_space<semaphore_mem>>)
      %add3A_88 = arith.constant 1 : i32
      %add3A_89 = arith.addi %mul3A_65, %add3A_88 : i32
      %mul3A_90 = arith.constant 80 : i32
      %mul3A_91 = arith.muli %add3A_89, %mul3A_90 : i32
      %dma_wait3A_92 = tpu.memref_slice %arg7[%mul3A_91] : memref<10000xi32, #tpu.memory_space<vmem>> -> memref<80xi32, #tpu.memory_space<vmem>>
      %dma_wait3A_93 = arith.constant 0 : i32
      %dma_wait3A_94 = arith.constant 0 : i32
      %dma_wait3A_95 = tpu.memref_slice %arg2[%dma_wait3A_93, %dma_wait3A_94] : memref<10000x128xf32, #tpu.memory_space<hbm>> -> memref<10000x128xf32, #tpu.memory_space<hbm>>
      tpu.wait_indirect_dma semaphore(%arg13 : memref<!tpu.dma_semaphore, #tpu.memory_space<semaphore_mem>>) src(%dma_wait3A_95 : memref<10000x128xf32, #tpu.memory_space<hbm>>) dst(%arg10 : memref<80x128xf32, #tpu.memory_space<vmem>>)
      %add3A_96 = arith.constant 1 : i32
      %add3A_97 = arith.addi %mul3A_65, %add3A_96 : i32
      "tpu.region"() ({
        %run_scoped3A_98 = tpu.sem_alloc : memref<!tpu.dma_semaphore, #tpu.memory_space<semaphore_mem>>
        %dma_start3A_99 = arith.constant 0 : i32
        %dma_start3A_100 = tpu.memref_slice %arg8[%add3A_97, %dma_start3A_99] : memref<125x80xi32, #tpu.memory_space<vmem>> -> memref<1x80xi32, #tpu.memory_space<vmem>>
        %dma_start3A_101 = tpu.memref_squeeze %dma_start3A_100 : memref<1x80xi32, #tpu.memory_space<vmem>> -> memref<80xi32, #tpu.memory_space<vmem>>
        %dma_start3A_102 = arith.constant 0 : i32
        %dma_start3A_103 = arith.constant 0 : i32
        %dma_start3A_104 = tpu.memref_slice %arg11[%dma_start3A_102, %dma_start3A_103] : memref<10112x128xf32, #tpu.memory_space<vmem_shared>> -> memref<10112x128xf32, #tpu.memory_space<vmem_shared>>
        tpu.enqueue_indirect_dma source(%arg10 : memref<80x128xf32, #tpu.memory_space<vmem>>) target(%dma_start3A_104 : memref<10112x128xf32, #tpu.memory_space<vmem_shared>>) offsets(%dma_start3A_101 : memref<80xi32, #tpu.memory_space<vmem>>) semaphore(%run_scoped3A_98 : memref<!tpu.dma_semaphore, #tpu.memory_space<semaphore_mem>>) {add = true}
        %dma_wait3A_105 = arith.constant 0 : i32
        %dma_wait3A_106 = tpu.memref_slice %arg8[%add3A_97, %dma_wait3A_105] : memref<125x80xi32, #tpu.memory_space<vmem>> -> memref<1x80xi32, #tpu.memory_space<vmem>>
        %dma_wait3A_107 = tpu.memref_squeeze %dma_wait3A_106 : memref<1x80xi32, #tpu.memory_space<vmem>> -> memref<80xi32, #tpu.memory_space<vmem>>
        %dma_wait3A_108 = arith.constant 0 : i32
        %dma_wait3A_109 = arith.constant 0 : i32
        %dma_wait3A_110 = tpu.memref_slice %arg11[%dma_wait3A_108, %dma_wait3A_109] : memref<10112x128xf32, #tpu.memory_space<vmem_shared>> -> memref<10112x128xf32, #tpu.memory_space<vmem_shared>>
        tpu.wait_indirect_dma semaphore(%run_scoped3A_98 : memref<!tpu.dma_semaphore, #tpu.memory_space<semaphore_mem>>) src(%arg10 : memref<80x128xf32, #tpu.memory_space<vmem>>) dst(%dma_wait3A_110 : memref<10112x128xf32, #tpu.memory_space<vmem_shared>>)
        tpu.yield
      }) : () -> ()
    }
    %scan3A_52 = arith.constant 62 : i32
    %dma_wait3A_53 = arith.constant 9920 : i32
    %dma_wait3A_54 = tpu.memref_slice %arg7[%dma_wait3A_53] : memref<10000xi32, #tpu.memory_space<vmem>> -> memref<80xi32, #tpu.memory_space<vmem>>
    %dma_wait3A_55 = arith.constant 0 : i32
    %dma_wait3A_56 = arith.constant 0 : i32
    %dma_wait3A_57 = tpu.memref_slice %arg2[%dma_wait3A_55, %dma_wait3A_56] : memref<10000x128xf32, #tpu.memory_space<hbm>> -> memref<10000x128xf32, #tpu.memory_space<hbm>>
    tpu.wait_indirect_dma semaphore(%arg12 : memref<!tpu.dma_semaphore, #tpu.memory_space<semaphore_mem>>) src(%dma_wait3A_57 : memref<10000x128xf32, #tpu.memory_space<hbm>>) dst(%arg9 : memref<80x128xf32, #tpu.memory_space<vmem>>)
    %run_scoped3A = arith.constant 124 : i32
    "tpu.region"() ({
      %run_scoped3A_63 = tpu.sem_alloc : memref<!tpu.dma_semaphore, #tpu.memory_space<semaphore_mem>>
      %dma_start3A_64 = arith.constant 0 : i32
      %dma_start3A_65 = tpu.memref_slice %arg8[%run_scoped3A, %dma_start3A_64] : memref<125x80xi32, #tpu.memory_space<vmem>> -> memref<1x80xi32, #tpu.memory_space<vmem>>
      %dma_start3A_66 = tpu.memref_squeeze %dma_start3A_65 : memref<1x80xi32, #tpu.memory_space<vmem>> -> memref<80xi32, #tpu.memory_space<vmem>>
      %dma_start3A_67 = arith.constant 0 : i32
      %dma_start3A_68 = arith.constant 0 : i32
      %dma_start3A_69 = tpu.memref_slice %arg11[%dma_start3A_67, %dma_start3A_68] : memref<10112x128xf32, #tpu.memory_space<vmem_shared>> -> memref<10112x128xf32, #tpu.memory_space<vmem_shared>>
      tpu.enqueue_indirect_dma source(%arg9 : memref<80x128xf32, #tpu.memory_space<vmem>>) target(%dma_start3A_69 : memref<10112x128xf32, #tpu.memory_space<vmem_shared>>) offsets(%dma_start3A_66 : memref<80xi32, #tpu.memory_space<vmem>>) semaphore(%run_scoped3A_63 : memref<!tpu.dma_semaphore, #tpu.memory_space<semaphore_mem>>) {add = true}
      %dma_wait3A_70 = arith.constant 0 : i32
      %dma_wait3A_71 = tpu.memref_slice %arg8[%run_scoped3A, %dma_wait3A_70] : memref<125x80xi32, #tpu.memory_space<vmem>> -> memref<1x80xi32, #tpu.memory_space<vmem>>
      %dma_wait3A_72 = tpu.memref_squeeze %dma_wait3A_71 : memref<1x80xi32, #tpu.memory_space<vmem>> -> memref<80xi32, #tpu.memory_space<vmem>>
      %dma_wait3A_73 = arith.constant 0 : i32
      %dma_wait3A_74 = arith.constant 0 : i32
      %dma_wait3A_75 = tpu.memref_slice %arg11[%dma_wait3A_73, %dma_wait3A_74] : memref<10112x128xf32, #tpu.memory_space<vmem_shared>> -> memref<10112x128xf32, #tpu.memory_space<vmem_shared>>
      tpu.wait_indirect_dma semaphore(%run_scoped3A_63 : memref<!tpu.dma_semaphore, #tpu.memory_space<semaphore_mem>>) src(%arg9 : memref<80x128xf32, #tpu.memory_space<vmem>>) dst(%dma_wait3A_75 : memref<10112x128xf32, #tpu.memory_space<vmem_shared>>)
      tpu.yield
    }) : () -> ()
    %barrier3A_58 = arith.constant 0 : index
    tpu.barrier barrier_id(%barrier3A_58)
    %mul3A_59 = arith.constant 632 : i32
    %mul3A_60 = arith.muli %arg1, %mul3A_59 : i32
    %mul3A_61 = arith.constant 632 : i32
    %mul3A_62 = arith.muli %arg1, %mul3A_61 : i32
    "tpu.region"() ({
      %run_scoped3A_63 = tpu.sem_alloc : memref<!tpu.dma_semaphore, #tpu.memory_space<semaphore_mem>>
      %dma_start3A_64 = arith.constant 0 : i32
      %dma_start3A_65 = tpu.memref_slice %arg6[%arg0, %mul3A_62, %dma_start3A_64] : memref<2x10112x128xf32, #tpu.memory_space<hbm>> -> memref<1x632x128xf32, #tpu.memory_space<hbm>>
      %dma_start3A_66 = tpu.memref_squeeze %dma_start3A_65 : memref<1x632x128xf32, #tpu.memory_space<hbm>> -> memref<632x128xf32, #tpu.memory_space<hbm>>
      %dma_start3A_67 = arith.constant 0 : i32
      %dma_start3A_68 = tpu.memref_slice %arg11[%mul3A_60, %dma_start3A_67] : memref<10112x128xf32, #tpu.memory_space<vmem_shared>> -> memref<632x128xf32, #tpu.memory_space<vmem_shared>>
      tpu.enqueue_dma source(%dma_start3A_68 : memref<632x128xf32, #tpu.memory_space<vmem_shared>>) target(%dma_start3A_66 : memref<632x128xf32, #tpu.memory_space<hbm>>) target_semaphore(%run_scoped3A_63 : memref<!tpu.dma_semaphore, #tpu.memory_space<semaphore_mem>>)
      %dma_wait3A_69 = arith.constant 0 : i32
      %dma_wait3A_70 = tpu.memref_slice %arg6[%arg0, %mul3A_62, %dma_wait3A_69] : memref<2x10112x128xf32, #tpu.memory_space<hbm>> -> memref<1x632x128xf32, #tpu.memory_space<hbm>>
      %dma_wait3A_71 = tpu.memref_squeeze %dma_wait3A_70 : memref<1x632x128xf32, #tpu.memory_space<hbm>> -> memref<632x128xf32, #tpu.memory_space<hbm>>
      %dma_wait3A_72 = arith.constant 0 : i32
      %dma_wait3A_73 = tpu.memref_slice %arg11[%mul3A_60, %dma_wait3A_72] : memref<10112x128xf32, #tpu.memory_space<vmem_shared>> -> memref<632x128xf32, #tpu.memory_space<vmem_shared>>
      tpu.wait_dma2 semaphore(%run_scoped3A_63 : memref<!tpu.dma_semaphore, #tpu.memory_space<semaphore_mem>>) src(%dma_wait3A_73 : memref<632x128xf32, #tpu.memory_space<vmem_shared>>) dst(%dma_wait3A_71 : memref<632x128xf32, #tpu.memory_space<hbm>>)
      tpu.yield
    }) : () -> ()
    return
  }
}

#map = affine_map<(d0, d1) -> (0, 0, 0)>
#map1 = affine_map<(d0, d1) -> (0, 0)>
module attributes {stable_mosaic.version = 14 : i64} {
  func.func @_deg_body(%arg0: i32, %arg1: i32, %arg2: memref<32x125x80xi32, #tpu.memory_space<hbm>>, %arg3: memref<80x128xf32, #tpu.memory_space<hbm>>, %arg4: memref<10112x128xf32, #tpu.memory_space<hbm>>, %arg5: memref<2x10112x128xf32, #tpu.memory_space<hbm>>, %arg6: memref<125x80xi32, #tpu.memory_space<vmem>>, %arg7: memref<80x128xf32, #tpu.memory_space<vmem>>, %arg8: memref<10112x128xf32, #tpu.memory_space<vmem_shared>>, %arg9: memref<!tpu.dma_semaphore, #tpu.memory_space<semaphore_mem>>) attributes {dimension_semantics = [#tpu.dimension_semantics<core_parallel>, #tpu.dimension_semantics<subcore_parallel>], iteration_bounds = array<i64: 2, 16>, scalar_prefetch = 0 : i64, scratch_operands = 4 : i64, tpu.core_type = #tpu.core_type<sc_vector_subcore>, window_params = [{transform_indices = #map}, {transform_indices = #map1}, {transform_indices = #map1}, {transform_indices = #map}]} {
    %mul3A = arith.constant 2 : i32
    %mul3A_0 = arith.muli %arg1, %mul3A : i32
    %add3A = arith.addi %mul3A_0, %arg0 : i32
    %mul3A_1 = arith.constant 632 : i32
    %mul3A_2 = arith.muli %arg1, %mul3A_1 : i32
    %mul3A_3 = arith.constant 632 : i32
    %mul3A_4 = arith.muli %arg1, %mul3A_3 : i32
    "tpu.region"() ({
      %run_scoped3A = tpu.sem_alloc : memref<!tpu.dma_semaphore, #tpu.memory_space<semaphore_mem>>
      %dma_start3A = arith.constant 0 : i32
      %dma_start3A_21 = tpu.memref_slice %arg8[%mul3A_4, %dma_start3A] : memref<10112x128xf32, #tpu.memory_space<vmem_shared>> -> memref<632x128xf32, #tpu.memory_space<vmem_shared>>
      %dma_start3A_22 = arith.constant 0 : i32
      %dma_start3A_23 = tpu.memref_slice %arg4[%mul3A_2, %dma_start3A_22] : memref<10112x128xf32, #tpu.memory_space<hbm>> -> memref<632x128xf32, #tpu.memory_space<hbm>>
      tpu.enqueue_dma source(%dma_start3A_23 : memref<632x128xf32, #tpu.memory_space<hbm>>) target(%dma_start3A_21 : memref<632x128xf32, #tpu.memory_space<vmem_shared>>) target_semaphore(%run_scoped3A : memref<!tpu.dma_semaphore, #tpu.memory_space<semaphore_mem>>)
      %dma_wait3A = arith.constant 0 : i32
      %dma_wait3A_24 = tpu.memref_slice %arg8[%mul3A_4, %dma_wait3A] : memref<10112x128xf32, #tpu.memory_space<vmem_shared>> -> memref<632x128xf32, #tpu.memory_space<vmem_shared>>
      %dma_wait3A_25 = arith.constant 0 : i32
      %dma_wait3A_26 = tpu.memref_slice %arg4[%mul3A_2, %dma_wait3A_25] : memref<10112x128xf32, #tpu.memory_space<hbm>> -> memref<632x128xf32, #tpu.memory_space<hbm>>
      tpu.wait_dma2 semaphore(%run_scoped3A : memref<!tpu.dma_semaphore, #tpu.memory_space<semaphore_mem>>) src(%dma_wait3A_26 : memref<632x128xf32, #tpu.memory_space<hbm>>) dst(%dma_wait3A_24 : memref<632x128xf32, #tpu.memory_space<vmem_shared>>)
      tpu.yield
    }) : () -> ()
    "tpu.region"() ({
      %run_scoped3A = tpu.sem_alloc : memref<!tpu.dma_semaphore, #tpu.memory_space<semaphore_mem>>
      tpu.enqueue_dma source(%arg3 : memref<80x128xf32, #tpu.memory_space<hbm>>) target(%arg7 : memref<80x128xf32, #tpu.memory_space<vmem>>) target_semaphore(%run_scoped3A : memref<!tpu.dma_semaphore, #tpu.memory_space<semaphore_mem>>)
      tpu.wait_dma2 semaphore(%run_scoped3A : memref<!tpu.dma_semaphore, #tpu.memory_space<semaphore_mem>>) src(%arg3 : memref<80x128xf32, #tpu.memory_space<hbm>>) dst(%arg7 : memref<80x128xf32, #tpu.memory_space<vmem>>)
      tpu.yield
    }) : () -> ()
    "tpu.region"() ({
      %run_scoped3A = tpu.sem_alloc : memref<!tpu.dma_semaphore, #tpu.memory_space<semaphore_mem>>
      %dma_start3A = arith.constant 0 : i32
      %dma_start3A_21 = arith.constant 0 : i32
      %dma_start3A_22 = tpu.memref_slice %arg2[%add3A, %dma_start3A, %dma_start3A_21] : memref<32x125x80xi32, #tpu.memory_space<hbm>> -> memref<1x125x80xi32, #tpu.memory_space<hbm>>
      %dma_start3A_23 = tpu.memref_squeeze %dma_start3A_22 : memref<1x125x80xi32, #tpu.memory_space<hbm>> -> memref<125x80xi32, #tpu.memory_space<hbm>>
      %dma_start3A_24 = arith.constant 0 : i32
      %dma_start3A_25 = arith.constant 0 : i32
      %dma_start3A_26 = tpu.memref_slice %arg2[%add3A, %dma_start3A_24, %dma_start3A_25] : memref<32x125x80xi32, #tpu.memory_space<hbm>> -> memref<1x125x80xi32, #tpu.memory_space<hbm>>
      %dma_start3A_27 = tpu.memref_squeeze %dma_start3A_26 : memref<1x125x80xi32, #tpu.memory_space<hbm>> -> memref<125x80xi32, #tpu.memory_space<hbm>>
      tpu.enqueue_dma source(%dma_start3A_27 : memref<125x80xi32, #tpu.memory_space<hbm>>) target(%arg6 : memref<125x80xi32, #tpu.memory_space<vmem>>) target_semaphore(%run_scoped3A : memref<!tpu.dma_semaphore, #tpu.memory_space<semaphore_mem>>)
      %dma_wait3A = arith.constant 0 : i32
      %dma_wait3A_28 = arith.constant 0 : i32
      %dma_wait3A_29 = tpu.memref_slice %arg2[%add3A, %dma_wait3A, %dma_wait3A_28] : memref<32x125x80xi32, #tpu.memory_space<hbm>> -> memref<1x125x80xi32, #tpu.memory_space<hbm>>
      %dma_wait3A_30 = tpu.memref_squeeze %dma_wait3A_29 : memref<1x125x80xi32, #tpu.memory_space<hbm>> -> memref<125x80xi32, #tpu.memory_space<hbm>>
      %dma_wait3A_31 = arith.constant 0 : i32
      %dma_wait3A_32 = arith.constant 0 : i32
      %dma_wait3A_33 = tpu.memref_slice %arg2[%add3A, %dma_wait3A_31, %dma_wait3A_32] : memref<32x125x80xi32, #tpu.memory_space<hbm>> -> memref<1x125x80xi32, #tpu.memory_space<hbm>>
      %dma_wait3A_34 = tpu.memref_squeeze %dma_wait3A_33 : memref<1x125x80xi32, #tpu.memory_space<hbm>> -> memref<125x80xi32, #tpu.memory_space<hbm>>
      tpu.wait_dma2 semaphore(%run_scoped3A : memref<!tpu.dma_semaphore, #tpu.memory_space<semaphore_mem>>) src(%dma_wait3A_34 : memref<125x80xi32, #tpu.memory_space<hbm>>) dst(%arg6 : memref<125x80xi32, #tpu.memory_space<vmem>>)
      tpu.yield
    }) : () -> ()
    %barrier3A = arith.constant 0 : index
    tpu.barrier barrier_id(%barrier3A)
    %scan3A = arith.constant 0 : i32
    %scan3A_5 = arith.constant 0 : i32
    %scan3A_6 = arith.constant 125 : i32
    %scan3A_7 = arith.addi %scan3A_5, %scan3A_6 : i32
    %scan3A_8 = arith.constant 1 : i32
    scf.for %scan3A_21 = %scan3A_5 to %scan3A_7 step %scan3A_8  : i32 {
      %dma_start3A = arith.constant 0 : i32
      %dma_start3A_22 = tpu.memref_slice %arg6[%scan3A_21, %dma_start3A] : memref<125x80xi32, #tpu.memory_space<vmem>> -> memref<1x80xi32, #tpu.memory_space<vmem>>
      %dma_start3A_23 = tpu.memref_squeeze %dma_start3A_22 : memref<1x80xi32, #tpu.memory_space<vmem>> -> memref<80xi32, #tpu.memory_space<vmem>>
      %dma_start3A_24 = arith.constant 0 : i32
      %dma_start3A_25 = arith.constant 0 : i32
      %dma_start3A_26 = tpu.memref_slice %arg8[%dma_start3A_24, %dma_start3A_25] : memref<10112x128xf32, #tpu.memory_space<vmem_shared>> -> memref<10112x128xf32, #tpu.memory_space<vmem_shared>>
      tpu.enqueue_indirect_dma source(%arg7 : memref<80x128xf32, #tpu.memory_space<vmem>>) target(%dma_start3A_26 : memref<10112x128xf32, #tpu.memory_space<vmem_shared>>) offsets(%dma_start3A_23 : memref<80xi32, #tpu.memory_space<vmem>>) semaphore(%arg9 : memref<!tpu.dma_semaphore, #tpu.memory_space<semaphore_mem>>) {add = true}
    }
    %scan3A_9 = arith.constant 125 : i32
    %scan3A_10 = arith.constant 0 : i32
    %scan3A_11 = arith.constant 0 : i32
    %scan3A_12 = arith.constant 125 : i32
    %scan3A_13 = arith.addi %scan3A_11, %scan3A_12 : i32
    %scan3A_14 = arith.constant 1 : i32
    scf.for %scan3A_21 = %scan3A_11 to %scan3A_13 step %scan3A_14  : i32 {
      %dma_wait3A = arith.constant 0 : i32
      %dma_wait3A_22 = arith.constant 0 : i32
      %dma_wait3A_23 = tpu.memref_slice %arg6[%dma_wait3A, %dma_wait3A_22] : memref<125x80xi32, #tpu.memory_space<vmem>> -> memref<1x80xi32, #tpu.memory_space<vmem>>
      %dma_wait3A_24 = tpu.memref_squeeze %dma_wait3A_23 : memref<1x80xi32, #tpu.memory_space<vmem>> -> memref<80xi32, #tpu.memory_space<vmem>>
      %dma_wait3A_25 = arith.constant 0 : i32
      %dma_wait3A_26 = arith.constant 0 : i32
      %dma_wait3A_27 = tpu.memref_slice %arg8[%dma_wait3A_25, %dma_wait3A_26] : memref<10112x128xf32, #tpu.memory_space<vmem_shared>> -> memref<10112x128xf32, #tpu.memory_space<vmem_shared>>
      tpu.wait_indirect_dma semaphore(%arg9 : memref<!tpu.dma_semaphore, #tpu.memory_space<semaphore_mem>>) src(%arg7 : memref<80x128xf32, #tpu.memory_space<vmem>>) dst(%dma_wait3A_27 : memref<10112x128xf32, #tpu.memory_space<vmem_shared>>)
    }
    %scan3A_15 = arith.constant 125 : i32
    %barrier3A_16 = arith.constant 0 : index
    tpu.barrier barrier_id(%barrier3A_16)
    %mul3A_17 = arith.constant 632 : i32
    %mul3A_18 = arith.muli %arg1, %mul3A_17 : i32
    %mul3A_19 = arith.constant 632 : i32
    %mul3A_20 = arith.muli %arg1, %mul3A_19 : i32
    "tpu.region"() ({
      %run_scoped3A = tpu.sem_alloc : memref<!tpu.dma_semaphore, #tpu.memory_space<semaphore_mem>>
      %dma_start3A = arith.constant 0 : i32
      %dma_start3A_21 = tpu.memref_slice %arg5[%arg0, %mul3A_20, %dma_start3A] : memref<2x10112x128xf32, #tpu.memory_space<hbm>> -> memref<1x632x128xf32, #tpu.memory_space<hbm>>
      %dma_start3A_22 = tpu.memref_squeeze %dma_start3A_21 : memref<1x632x128xf32, #tpu.memory_space<hbm>> -> memref<632x128xf32, #tpu.memory_space<hbm>>
      %dma_start3A_23 = arith.constant 0 : i32
      %dma_start3A_24 = tpu.memref_slice %arg8[%mul3A_18, %dma_start3A_23] : memref<10112x128xf32, #tpu.memory_space<vmem_shared>> -> memref<632x128xf32, #tpu.memory_space<vmem_shared>>
      tpu.enqueue_dma source(%dma_start3A_24 : memref<632x128xf32, #tpu.memory_space<vmem_shared>>) target(%dma_start3A_22 : memref<632x128xf32, #tpu.memory_space<hbm>>) target_semaphore(%run_scoped3A : memref<!tpu.dma_semaphore, #tpu.memory_space<semaphore_mem>>)
      %dma_wait3A = arith.constant 0 : i32
      %dma_wait3A_25 = tpu.memref_slice %arg5[%arg0, %mul3A_20, %dma_wait3A] : memref<2x10112x128xf32, #tpu.memory_space<hbm>> -> memref<1x632x128xf32, #tpu.memory_space<hbm>>
      %dma_wait3A_26 = tpu.memref_squeeze %dma_wait3A_25 : memref<1x632x128xf32, #tpu.memory_space<hbm>> -> memref<632x128xf32, #tpu.memory_space<hbm>>
      %dma_wait3A_27 = arith.constant 0 : i32
      %dma_wait3A_28 = tpu.memref_slice %arg8[%mul3A_18, %dma_wait3A_27] : memref<10112x128xf32, #tpu.memory_space<vmem_shared>> -> memref<632x128xf32, #tpu.memory_space<vmem_shared>>
      tpu.wait_dma2 semaphore(%run_scoped3A : memref<!tpu.dma_semaphore, #tpu.memory_space<semaphore_mem>>) src(%dma_wait3A_28 : memref<632x128xf32, #tpu.memory_space<vmem_shared>>) dst(%dma_wait3A_26 : memref<632x128xf32, #tpu.memory_space<hbm>>)
      tpu.yield
    }) : () -> ()
    return
  }
}

#map = affine_map<(d0, d1) -> (0, 0)>
#map1 = affine_map<(d0, d1) -> (0, 0, 0)>
module attributes {stable_mosaic.version = 14 : i64} {
  func.func @_agg_body(%arg0: i32, %arg1: i32, %arg2: memref<10000x128xf32, #tpu.memory_space<hbm>>, %arg3: memref<32x10000xi32, #tpu.memory_space<hbm>>, %arg4: memref<32x125x80xi32, #tpu.memory_space<hbm>>, %arg5: memref<10112x128xf32, #tpu.memory_space<hbm>>, %arg6: memref<2x10112x128xf32, #tpu.memory_space<hbm>>, %arg7: memref<10000xi32, #tpu.memory_space<vmem>>, %arg8: memref<125x80xi32, #tpu.memory_space<vmem>>, %arg9: memref<80x128xf32, #tpu.memory_space<vmem>>, %arg10: memref<80x128xf32, #tpu.memory_space<vmem>>, %arg11: memref<10112x128xf32, #tpu.memory_space<vmem_shared>>, %arg12: memref<!tpu.dma_semaphore, #tpu.memory_space<semaphore_mem>>, %arg13: memref<!tpu.dma_semaphore, #tpu.memory_space<semaphore_mem>>, %arg14: memref<!tpu.dma_semaphore, #tpu.memory_space<semaphore_mem>>) attributes {dimension_semantics = [#tpu.dimension_semantics<core_parallel>, #tpu.dimension_semantics<subcore_parallel>], iteration_bounds = array<i64: 2, 16>, scalar_prefetch = 0 : i64, scratch_operands = 8 : i64, tpu.core_type = #tpu.core_type<sc_vector_subcore>, window_params = [{transform_indices = #map}, {transform_indices = #map}, {transform_indices = #map1}, {transform_indices = #map}, {transform_indices = #map1}]} {
    %mul3A = arith.constant 2 : i32
    %mul3A_0 = arith.muli %arg1, %mul3A : i32
    %add3A = arith.addi %mul3A_0, %arg0 : i32
    %mul3A_1 = arith.constant 632 : i32
    %mul3A_2 = arith.muli %arg1, %mul3A_1 : i32
    %mul3A_3 = arith.constant 632 : i32
    %mul3A_4 = arith.muli %arg1, %mul3A_3 : i32
    %dma_start3A = arith.constant 0 : i32
    %dma_start3A_5 = tpu.memref_slice %arg11[%mul3A_4, %dma_start3A] : memref<10112x128xf32, #tpu.memory_space<vmem_shared>> -> memref<632x128xf32, #tpu.memory_space<vmem_shared>>
    %dma_start3A_6 = arith.constant 0 : i32
    %dma_start3A_7 = tpu.memref_slice %arg5[%mul3A_2, %dma_start3A_6] : memref<10112x128xf32, #tpu.memory_space<hbm>> -> memref<632x128xf32, #tpu.memory_space<hbm>>
    tpu.enqueue_dma source(%dma_start3A_7 : memref<632x128xf32, #tpu.memory_space<hbm>>) target(%dma_start3A_5 : memref<632x128xf32, #tpu.memory_space<vmem_shared>>) target_semaphore(%arg14 : memref<!tpu.dma_semaphore, #tpu.memory_space<semaphore_mem>>)
    %dma_start3A_8 = arith.constant 0 : i32
    %dma_start3A_9 = tpu.memref_slice %arg3[%add3A, %dma_start3A_8] : memref<32x10000xi32, #tpu.memory_space<hbm>> -> memref<1x10000xi32, #tpu.memory_space<hbm>>
    %dma_start3A_10 = tpu.memref_squeeze %dma_start3A_9 : memref<1x10000xi32, #tpu.memory_space<hbm>> -> memref<10000xi32, #tpu.memory_space<hbm>>
    %dma_start3A_11 = arith.constant 0 : i32
    %dma_start3A_12 = tpu.memref_slice %arg3[%add3A, %dma_start3A_11] : memref<32x10000xi32, #tpu.memory_space<hbm>> -> memref<1x10000xi32, #tpu.memory_space<hbm>>
    %dma_start3A_13 = tpu.memref_squeeze %dma_start3A_12 : memref<1x10000xi32, #tpu.memory_space<hbm>> -> memref<10000xi32, #tpu.memory_space<hbm>>
    tpu.enqueue_dma source(%dma_start3A_13 : memref<10000xi32, #tpu.memory_space<hbm>>) target(%arg7 : memref<10000xi32, #tpu.memory_space<vmem>>) target_semaphore(%arg12 : memref<!tpu.dma_semaphore, #tpu.memory_space<semaphore_mem>>)
    %dma_start3A_14 = arith.constant 0 : i32
    %dma_start3A_15 = arith.constant 0 : i32
    %dma_start3A_16 = tpu.memref_slice %arg4[%add3A, %dma_start3A_14, %dma_start3A_15] : memref<32x125x80xi32, #tpu.memory_space<hbm>> -> memref<1x125x80xi32, #tpu.memory_space<hbm>>
    %dma_start3A_17 = tpu.memref_squeeze %dma_start3A_16 : memref<1x125x80xi32, #tpu.memory_space<hbm>> -> memref<125x80xi32, #tpu.memory_space<hbm>>
    %dma_start3A_18 = arith.constant 0 : i32
    %dma_start3A_19 = arith.constant 0 : i32
    %dma_start3A_20 = tpu.memref_slice %arg4[%add3A, %dma_start3A_18, %dma_start3A_19] : memref<32x125x80xi32, #tpu.memory_space<hbm>> -> memref<1x125x80xi32, #tpu.memory_space<hbm>>
    %dma_start3A_21 = tpu.memref_squeeze %dma_start3A_20 : memref<1x125x80xi32, #tpu.memory_space<hbm>> -> memref<125x80xi32, #tpu.memory_space<hbm>>
    tpu.enqueue_dma source(%dma_start3A_21 : memref<125x80xi32, #tpu.memory_space<hbm>>) target(%arg8 : memref<125x80xi32, #tpu.memory_space<vmem>>) target_semaphore(%arg13 : memref<!tpu.dma_semaphore, #tpu.memory_space<semaphore_mem>>)
    %dma_wait3A = arith.constant 0 : i32
    %dma_wait3A_22 = tpu.memref_slice %arg3[%add3A, %dma_wait3A] : memref<32x10000xi32, #tpu.memory_space<hbm>> -> memref<1x10000xi32, #tpu.memory_space<hbm>>
    %dma_wait3A_23 = tpu.memref_squeeze %dma_wait3A_22 : memref<1x10000xi32, #tpu.memory_space<hbm>> -> memref<10000xi32, #tpu.memory_space<hbm>>
    %dma_wait3A_24 = arith.constant 0 : i32
    %dma_wait3A_25 = tpu.memref_slice %arg3[%add3A, %dma_wait3A_24] : memref<32x10000xi32, #tpu.memory_space<hbm>> -> memref<1x10000xi32, #tpu.memory_space<hbm>>
    %dma_wait3A_26 = tpu.memref_squeeze %dma_wait3A_25 : memref<1x10000xi32, #tpu.memory_space<hbm>> -> memref<10000xi32, #tpu.memory_space<hbm>>
    tpu.wait_dma2 semaphore(%arg12 : memref<!tpu.dma_semaphore, #tpu.memory_space<semaphore_mem>>) src(%dma_wait3A_26 : memref<10000xi32, #tpu.memory_space<hbm>>) dst(%arg7 : memref<10000xi32, #tpu.memory_space<vmem>>)
    %dma_start3A_27 = arith.constant 0 : i32
    %dma_start3A_28 = tpu.memref_slice %arg7[%dma_start3A_27] : memref<10000xi32, #tpu.memory_space<vmem>> -> memref<80xi32, #tpu.memory_space<vmem>>
    %dma_start3A_29 = arith.constant 0 : i32
    %dma_start3A_30 = arith.constant 0 : i32
    %dma_start3A_31 = tpu.memref_slice %arg2[%dma_start3A_29, %dma_start3A_30] : memref<10000x128xf32, #tpu.memory_space<hbm>> -> memref<10000x128xf32, #tpu.memory_space<hbm>>
    tpu.enqueue_indirect_dma source(%dma_start3A_31 : memref<10000x128xf32, #tpu.memory_space<hbm>>) target(%arg9 : memref<80x128xf32, #tpu.memory_space<vmem>>) offsets(%dma_start3A_28 : memref<80xi32, #tpu.memory_space<vmem>>) semaphore(%arg12 : memref<!tpu.dma_semaphore, #tpu.memory_space<semaphore_mem>>)
    %dma_wait3A_32 = arith.constant 0 : i32
    %dma_wait3A_33 = arith.constant 0 : i32
    %dma_wait3A_34 = tpu.memref_slice %arg4[%add3A, %dma_wait3A_32, %dma_wait3A_33] : memref<32x125x80xi32, #tpu.memory_space<hbm>> -> memref<1x125x80xi32, #tpu.memory_space<hbm>>
    %dma_wait3A_35 = tpu.memref_squeeze %dma_wait3A_34 : memref<1x125x80xi32, #tpu.memory_space<hbm>> -> memref<125x80xi32, #tpu.memory_space<hbm>>
    %dma_wait3A_36 = arith.constant 0 : i32
    %dma_wait3A_37 = arith.constant 0 : i32
    %dma_wait3A_38 = tpu.memref_slice %arg4[%add3A, %dma_wait3A_36, %dma_wait3A_37] : memref<32x125x80xi32, #tpu.memory_space<hbm>> -> memref<1x125x80xi32, #tpu.memory_space<hbm>>
    %dma_wait3A_39 = tpu.memref_squeeze %dma_wait3A_38 : memref<1x125x80xi32, #tpu.memory_space<hbm>> -> memref<125x80xi32, #tpu.memory_space<hbm>>
    tpu.wait_dma2 semaphore(%arg13 : memref<!tpu.dma_semaphore, #tpu.memory_space<semaphore_mem>>) src(%dma_wait3A_39 : memref<125x80xi32, #tpu.memory_space<hbm>>) dst(%arg8 : memref<125x80xi32, #tpu.memory_space<vmem>>)
    %mul3A_40 = arith.constant 632 : i32
    %mul3A_41 = arith.muli %arg1, %mul3A_40 : i32
    %mul3A_42 = arith.constant 632 : i32
    %mul3A_43 = arith.muli %arg1, %mul3A_42 : i32
    %dma_wait3A_44 = arith.constant 0 : i32
    %dma_wait3A_45 = tpu.memref_slice %arg11[%mul3A_43, %dma_wait3A_44] : memref<10112x128xf32, #tpu.memory_space<vmem_shared>> -> memref<632x128xf32, #tpu.memory_space<vmem_shared>>
    %dma_wait3A_46 = arith.constant 0 : i32
    %dma_wait3A_47 = tpu.memref_slice %arg5[%mul3A_41, %dma_wait3A_46] : memref<10112x128xf32, #tpu.memory_space<hbm>> -> memref<632x128xf32, #tpu.memory_space<hbm>>
    tpu.wait_dma2 semaphore(%arg14 : memref<!tpu.dma_semaphore, #tpu.memory_space<semaphore_mem>>) src(%dma_wait3A_47 : memref<632x128xf32, #tpu.memory_space<hbm>>) dst(%dma_wait3A_45 : memref<632x128xf32, #tpu.memory_space<vmem_shared>>)
    %barrier3A = arith.constant 0 : index
    tpu.barrier barrier_id(%barrier3A)
    %scan3A = arith.constant 0 : i32
    %scan3A_48 = arith.constant 0 : i32
    %scan3A_49 = arith.constant 62 : i32
    %scan3A_50 = arith.addi %scan3A_48, %scan3A_49 : i32
    %scan3A_51 = arith.constant 1 : i32
    scf.for %scan3A_63 = %scan3A_48 to %scan3A_50 step %scan3A_51  : i32 {
      %mul3A_64 = arith.constant 2 : i32
      %mul3A_65 = arith.muli %mul3A_64, %scan3A_63 : i32
      %add3A_66 = arith.constant 1 : i32
      %add3A_67 = arith.addi %mul3A_65, %add3A_66 : i32
      %mul3A_68 = arith.constant 80 : i32
      %mul3A_69 = arith.muli %add3A_67, %mul3A_68 : i32
      %dma_start3A_70 = tpu.memref_slice %arg7[%mul3A_69] : memref<10000xi32, #tpu.memory_space<vmem>> -> memref<80xi32, #tpu.memory_space<vmem>>
      %dma_start3A_71 = arith.constant 0 : i32
      %dma_start3A_72 = arith.constant 0 : i32
      %dma_start3A_73 = tpu.memref_slice %arg2[%dma_start3A_71, %dma_start3A_72] : memref<10000x128xf32, #tpu.memory_space<hbm>> -> memref<10000x128xf32, #tpu.memory_space<hbm>>
      tpu.enqueue_indirect_dma source(%dma_start3A_73 : memref<10000x128xf32, #tpu.memory_space<hbm>>) target(%arg10 : memref<80x128xf32, #tpu.memory_space<vmem>>) offsets(%dma_start3A_70 : memref<80xi32, #tpu.memory_space<vmem>>) semaphore(%arg13 : memref<!tpu.dma_semaphore, #tpu.memory_space<semaphore_mem>>)
      %mul3A_74 = arith.constant 80 : i32
      %mul3A_75 = arith.muli %mul3A_65, %mul3A_74 : i32
      %dma_wait3A_76 = tpu.memref_slice %arg7[%mul3A_75] : memref<10000xi32, #tpu.memory_space<vmem>> -> memref<80xi32, #tpu.memory_space<vmem>>
      %dma_wait3A_77 = arith.constant 0 : i32
      %dma_wait3A_78 = arith.constant 0 : i32
      %dma_wait3A_79 = tpu.memref_slice %arg2[%dma_wait3A_77, %dma_wait3A_78] : memref<10000x128xf32, #tpu.memory_space<hbm>> -> memref<10000x128xf32, #tpu.memory_space<hbm>>
      tpu.wait_indirect_dma semaphore(%arg12 : memref<!tpu.dma_semaphore, #tpu.memory_space<semaphore_mem>>) src(%dma_wait3A_79 : memref<10000x128xf32, #tpu.memory_space<hbm>>) dst(%arg9 : memref<80x128xf32, #tpu.memory_space<vmem>>)
      "tpu.region"() ({
        %run_scoped3A_98 = tpu.sem_alloc : memref<!tpu.dma_semaphore, #tpu.memory_space<semaphore_mem>>
        %dma_start3A_99 = arith.constant 0 : i32
        %dma_start3A_100 = tpu.memref_slice %arg8[%mul3A_65, %dma_start3A_99] : memref<125x80xi32, #tpu.memory_space<vmem>> -> memref<1x80xi32, #tpu.memory_space<vmem>>
        %dma_start3A_101 = tpu.memref_squeeze %dma_start3A_100 : memref<1x80xi32, #tpu.memory_space<vmem>> -> memref<80xi32, #tpu.memory_space<vmem>>
        %dma_start3A_102 = arith.constant 0 : i32
        %dma_start3A_103 = arith.constant 0 : i32
        %dma_start3A_104 = tpu.memref_slice %arg11[%dma_start3A_102, %dma_start3A_103] : memref<10112x128xf32, #tpu.memory_space<vmem_shared>> -> memref<10112x128xf32, #tpu.memory_space<vmem_shared>>
        tpu.enqueue_indirect_dma source(%arg9 : memref<80x128xf32, #tpu.memory_space<vmem>>) target(%dma_start3A_104 : memref<10112x128xf32, #tpu.memory_space<vmem_shared>>) offsets(%dma_start3A_101 : memref<80xi32, #tpu.memory_space<vmem>>) semaphore(%run_scoped3A_98 : memref<!tpu.dma_semaphore, #tpu.memory_space<semaphore_mem>>) {add = true}
        %dma_wait3A_105 = arith.constant 0 : i32
        %dma_wait3A_106 = tpu.memref_slice %arg8[%mul3A_65, %dma_wait3A_105] : memref<125x80xi32, #tpu.memory_space<vmem>> -> memref<1x80xi32, #tpu.memory_space<vmem>>
        %dma_wait3A_107 = tpu.memref_squeeze %dma_wait3A_106 : memref<1x80xi32, #tpu.memory_space<vmem>> -> memref<80xi32, #tpu.memory_space<vmem>>
        %dma_wait3A_108 = arith.constant 0 : i32
        %dma_wait3A_109 = arith.constant 0 : i32
        %dma_wait3A_110 = tpu.memref_slice %arg11[%dma_wait3A_108, %dma_wait3A_109] : memref<10112x128xf32, #tpu.memory_space<vmem_shared>> -> memref<10112x128xf32, #tpu.memory_space<vmem_shared>>
        tpu.wait_indirect_dma semaphore(%run_scoped3A_98 : memref<!tpu.dma_semaphore, #tpu.memory_space<semaphore_mem>>) src(%arg9 : memref<80x128xf32, #tpu.memory_space<vmem>>) dst(%dma_wait3A_110 : memref<10112x128xf32, #tpu.memory_space<vmem_shared>>)
        tpu.yield
      }) : () -> ()
      %add3A_80 = arith.constant 2 : i32
      %add3A_81 = arith.addi %mul3A_65, %add3A_80 : i32
      %mul3A_82 = arith.constant 80 : i32
      %mul3A_83 = arith.muli %add3A_81, %mul3A_82 : i32
      %dma_start3A_84 = tpu.memref_slice %arg7[%mul3A_83] : memref<10000xi32, #tpu.memory_space<vmem>> -> memref<80xi32, #tpu.memory_space<vmem>>
      %dma_start3A_85 = arith.constant 0 : i32
      %dma_start3A_86 = arith.constant 0 : i32
      %dma_start3A_87 = tpu.memref_slice %arg2[%dma_start3A_85, %dma_start3A_86] : memref<10000x128xf32, #tpu.memory_space<hbm>> -> memref<10000x128xf32, #tpu.memory_space<hbm>>
      tpu.enqueue_indirect_dma source(%dma_start3A_87 : memref<10000x128xf32, #tpu.memory_space<hbm>>) target(%arg9 : memref<80x128xf32, #tpu.memory_space<vmem>>) offsets(%dma_start3A_84 : memref<80xi32, #tpu.memory_space<vmem>>) semaphore(%arg12 : memref<!tpu.dma_semaphore, #tpu.memory_space<semaphore_mem>>)
      %add3A_88 = arith.constant 1 : i32
      %add3A_89 = arith.addi %mul3A_65, %add3A_88 : i32
      %mul3A_90 = arith.constant 80 : i32
      %mul3A_91 = arith.muli %add3A_89, %mul3A_90 : i32
      %dma_wait3A_92 = tpu.memref_slice %arg7[%mul3A_91] : memref<10000xi32, #tpu.memory_space<vmem>> -> memref<80xi32, #tpu.memory_space<vmem>>
      %dma_wait3A_93 = arith.constant 0 : i32
      %dma_wait3A_94 = arith.constant 0 : i32
      %dma_wait3A_95 = tpu.memref_slice %arg2[%dma_wait3A_93, %dma_wait3A_94] : memref<10000x128xf32, #tpu.memory_space<hbm>> -> memref<10000x128xf32, #tpu.memory_space<hbm>>
      tpu.wait_indirect_dma semaphore(%arg13 : memref<!tpu.dma_semaphore, #tpu.memory_space<semaphore_mem>>) src(%dma_wait3A_95 : memref<10000x128xf32, #tpu.memory_space<hbm>>) dst(%arg10 : memref<80x128xf32, #tpu.memory_space<vmem>>)
      %add3A_96 = arith.constant 1 : i32
      %add3A_97 = arith.addi %mul3A_65, %add3A_96 : i32
      "tpu.region"() ({
        %run_scoped3A_98 = tpu.sem_alloc : memref<!tpu.dma_semaphore, #tpu.memory_space<semaphore_mem>>
        %dma_start3A_99 = arith.constant 0 : i32
        %dma_start3A_100 = tpu.memref_slice %arg8[%add3A_97, %dma_start3A_99] : memref<125x80xi32, #tpu.memory_space<vmem>> -> memref<1x80xi32, #tpu.memory_space<vmem>>
        %dma_start3A_101 = tpu.memref_squeeze %dma_start3A_100 : memref<1x80xi32, #tpu.memory_space<vmem>> -> memref<80xi32, #tpu.memory_space<vmem>>
        %dma_start3A_102 = arith.constant 0 : i32
        %dma_start3A_103 = arith.constant 0 : i32
        %dma_start3A_104 = tpu.memref_slice %arg11[%dma_start3A_102, %dma_start3A_103] : memref<10112x128xf32, #tpu.memory_space<vmem_shared>> -> memref<10112x128xf32, #tpu.memory_space<vmem_shared>>
        tpu.enqueue_indirect_dma source(%arg10 : memref<80x128xf32, #tpu.memory_space<vmem>>) target(%dma_start3A_104 : memref<10112x128xf32, #tpu.memory_space<vmem_shared>>) offsets(%dma_start3A_101 : memref<80xi32, #tpu.memory_space<vmem>>) semaphore(%run_scoped3A_98 : memref<!tpu.dma_semaphore, #tpu.memory_space<semaphore_mem>>) {add = true}
        %dma_wait3A_105 = arith.constant 0 : i32
        %dma_wait3A_106 = tpu.memref_slice %arg8[%add3A_97, %dma_wait3A_105] : memref<125x80xi32, #tpu.memory_space<vmem>> -> memref<1x80xi32, #tpu.memory_space<vmem>>
        %dma_wait3A_107 = tpu.memref_squeeze %dma_wait3A_106 : memref<1x80xi32, #tpu.memory_space<vmem>> -> memref<80xi32, #tpu.memory_space<vmem>>
        %dma_wait3A_108 = arith.constant 0 : i32
        %dma_wait3A_109 = arith.constant 0 : i32
        %dma_wait3A_110 = tpu.memref_slice %arg11[%dma_wait3A_108, %dma_wait3A_109] : memref<10112x128xf32, #tpu.memory_space<vmem_shared>> -> memref<10112x128xf32, #tpu.memory_space<vmem_shared>>
        tpu.wait_indirect_dma semaphore(%run_scoped3A_98 : memref<!tpu.dma_semaphore, #tpu.memory_space<semaphore_mem>>) src(%arg10 : memref<80x128xf32, #tpu.memory_space<vmem>>) dst(%dma_wait3A_110 : memref<10112x128xf32, #tpu.memory_space<vmem_shared>>)
        tpu.yield
      }) : () -> ()
    }
    %scan3A_52 = arith.constant 62 : i32
    %dma_wait3A_53 = arith.constant 9920 : i32
    %dma_wait3A_54 = tpu.memref_slice %arg7[%dma_wait3A_53] : memref<10000xi32, #tpu.memory_space<vmem>> -> memref<80xi32, #tpu.memory_space<vmem>>
    %dma_wait3A_55 = arith.constant 0 : i32
    %dma_wait3A_56 = arith.constant 0 : i32
    %dma_wait3A_57 = tpu.memref_slice %arg2[%dma_wait3A_55, %dma_wait3A_56] : memref<10000x128xf32, #tpu.memory_space<hbm>> -> memref<10000x128xf32, #tpu.memory_space<hbm>>
    tpu.wait_indirect_dma semaphore(%arg12 : memref<!tpu.dma_semaphore, #tpu.memory_space<semaphore_mem>>) src(%dma_wait3A_57 : memref<10000x128xf32, #tpu.memory_space<hbm>>) dst(%arg9 : memref<80x128xf32, #tpu.memory_space<vmem>>)
    %run_scoped3A = arith.constant 124 : i32
    "tpu.region"() ({
      %run_scoped3A_63 = tpu.sem_alloc : memref<!tpu.dma_semaphore, #tpu.memory_space<semaphore_mem>>
      %dma_start3A_64 = arith.constant 0 : i32
      %dma_start3A_65 = tpu.memref_slice %arg8[%run_scoped3A, %dma_start3A_64] : memref<125x80xi32, #tpu.memory_space<vmem>> -> memref<1x80xi32, #tpu.memory_space<vmem>>
      %dma_start3A_66 = tpu.memref_squeeze %dma_start3A_65 : memref<1x80xi32, #tpu.memory_space<vmem>> -> memref<80xi32, #tpu.memory_space<vmem>>
      %dma_start3A_67 = arith.constant 0 : i32
      %dma_start3A_68 = arith.constant 0 : i32
      %dma_start3A_69 = tpu.memref_slice %arg11[%dma_start3A_67, %dma_start3A_68] : memref<10112x128xf32, #tpu.memory_space<vmem_shared>> -> memref<10112x128xf32, #tpu.memory_space<vmem_shared>>
      tpu.enqueue_indirect_dma source(%arg9 : memref<80x128xf32, #tpu.memory_space<vmem>>) target(%dma_start3A_69 : memref<10112x128xf32, #tpu.memory_space<vmem_shared>>) offsets(%dma_start3A_66 : memref<80xi32, #tpu.memory_space<vmem>>) semaphore(%run_scoped3A_63 : memref<!tpu.dma_semaphore, #tpu.memory_space<semaphore_mem>>) {add = true}
      %dma_wait3A_70 = arith.constant 0 : i32
      %dma_wait3A_71 = tpu.memref_slice %arg8[%run_scoped3A, %dma_wait3A_70] : memref<125x80xi32, #tpu.memory_space<vmem>> -> memref<1x80xi32, #tpu.memory_space<vmem>>
      %dma_wait3A_72 = tpu.memref_squeeze %dma_wait3A_71 : memref<1x80xi32, #tpu.memory_space<vmem>> -> memref<80xi32, #tpu.memory_space<vmem>>
      %dma_wait3A_73 = arith.constant 0 : i32
      %dma_wait3A_74 = arith.constant 0 : i32
      %dma_wait3A_75 = tpu.memref_slice %arg11[%dma_wait3A_73, %dma_wait3A_74] : memref<10112x128xf32, #tpu.memory_space<vmem_shared>> -> memref<10112x128xf32, #tpu.memory_space<vmem_shared>>
      tpu.wait_indirect_dma semaphore(%run_scoped3A_63 : memref<!tpu.dma_semaphore, #tpu.memory_space<semaphore_mem>>) src(%arg9 : memref<80x128xf32, #tpu.memory_space<vmem>>) dst(%dma_wait3A_75 : memref<10112x128xf32, #tpu.memory_space<vmem_shared>>)
      tpu.yield
    }) : () -> ()
    %barrier3A_58 = arith.constant 0 : index
    tpu.barrier barrier_id(%barrier3A_58)
    %mul3A_59 = arith.constant 632 : i32
    %mul3A_60 = arith.muli %arg1, %mul3A_59 : i32
    %mul3A_61 = arith.constant 632 : i32
    %mul3A_62 = arith.muli %arg1, %mul3A_61 : i32
    "tpu.region"() ({
      %run_scoped3A_63 = tpu.sem_alloc : memref<!tpu.dma_semaphore, #tpu.memory_space<semaphore_mem>>
      %dma_start3A_64 = arith.constant 0 : i32
      %dma_start3A_65 = tpu.memref_slice %arg6[%arg0, %mul3A_62, %dma_start3A_64] : memref<2x10112x128xf32, #tpu.memory_space<hbm>> -> memref<1x632x128xf32, #tpu.memory_space<hbm>>
      %dma_start3A_66 = tpu.memref_squeeze %dma_start3A_65 : memref<1x632x128xf32, #tpu.memory_space<hbm>> -> memref<632x128xf32, #tpu.memory_space<hbm>>
      %dma_start3A_67 = arith.constant 0 : i32
      %dma_start3A_68 = tpu.memref_slice %arg11[%mul3A_60, %dma_start3A_67] : memref<10112x128xf32, #tpu.memory_space<vmem_shared>> -> memref<632x128xf32, #tpu.memory_space<vmem_shared>>
      tpu.enqueue_dma source(%dma_start3A_68 : memref<632x128xf32, #tpu.memory_space<vmem_shared>>) target(%dma_start3A_66 : memref<632x128xf32, #tpu.memory_space<hbm>>) target_semaphore(%run_scoped3A_63 : memref<!tpu.dma_semaphore, #tpu.memory_space<semaphore_mem>>)
      %dma_wait3A_69 = arith.constant 0 : i32
      %dma_wait3A_70 = tpu.memref_slice %arg6[%arg0, %mul3A_62, %dma_wait3A_69] : memref<2x10112x128xf32, #tpu.memory_space<hbm>> -> memref<1x632x128xf32, #tpu.memory_space<hbm>>
      %dma_wait3A_71 = tpu.memref_squeeze %dma_wait3A_70 : memref<1x632x128xf32, #tpu.memory_space<hbm>> -> memref<632x128xf32, #tpu.memory_space<hbm>>
      %dma_wait3A_72 = arith.constant 0 : i32
      %dma_wait3A_73 = tpu.memref_slice %arg11[%mul3A_60, %dma_wait3A_72] : memref<10112x128xf32, #tpu.memory_space<vmem_shared>> -> memref<632x128xf32, #tpu.memory_space<vmem_shared>>
      tpu.wait_dma2 semaphore(%run_scoped3A_63 : memref<!tpu.dma_semaphore, #tpu.memory_space<semaphore_mem>>) src(%dma_wait3A_73 : memref<632x128xf32, #tpu.memory_space<vmem_shared>>) dst(%dma_wait3A_71 : memref<632x128xf32, #tpu.memory_space<hbm>>)
      tpu.yield
    }) : () -> ()
    return
  }
}

module attributes {stable_mosaic.version = 14 : i64} {
  func.func @_tc1_body(%arg0: i32, %arg1: memref<2000x128xf32, #tpu.memory_space<vmem>>, %arg2: memref<128x128xf32, #tpu.memory_space<vmem>>, %arg3: memref<2x2000x128xf32, #tpu.memory_space<vmem>>, %arg4: memref<2000x128xf32, #tpu.memory_space<vmem>>, %arg5: memref<2000x1xf32, #tpu.memory_space<vmem>>) attributes {dimension_semantics = [#tpu.dimension_semantics<arbitrary>], iteration_bounds = array<i64: 5>, scalar_prefetch = 0 : i64, scratch_operands = 0 : i64, tpu.core_type = #tpu.core_type<tc>, window_params = [{transform_indices = @transform_0, window_bounds = array<i64: 2000, 128>}, {pipeline_mode = #tpu.pipeline_mode<synchronous>, transform_indices = @transform_1, window_bounds = array<i64: 128, 128>}, {transform_indices = @transform_2, window_bounds = array<i64: 2, 2000, 128>}, {transform_indices = @transform_3, window_bounds = array<i64: 2000, 128>}, {transform_indices = @transform_4, window_bounds = array<i64: 2000, 1>}]} {
    %get3A = arith.constant 0 : index
    %get3A_0 = arith.constant 0 : index
    %get3A_1 = arith.constant 0 : index
    %get3A_2 = vector.load %arg3[%get3A, %get3A_0, %get3A_1] : memref<2x2000x128xf32, #tpu.memory_space<vmem>>, vector<1x2000x1xf32>
    %get3A_3 = vector.shape_cast %get3A_2 : vector<1x2000x1xf32> to vector<2000x1xf32>
    %get3A_4 = arith.constant 1 : index
    %get3A_5 = arith.constant 0 : index
    %get3A_6 = arith.constant 0 : index
    %get3A_7 = vector.load %arg3[%get3A_4, %get3A_5, %get3A_6] : memref<2x2000x128xf32, #tpu.memory_space<vmem>>, vector<1x2000x1xf32>
    %get3A_8 = vector.shape_cast %get3A_7 : vector<1x2000x1xf32> to vector<2000x1xf32>
    %add3A = arith.addf %get3A_3, %get3A_8 : vector<2000x1xf32>
    %add3A_9 = arith.constant 1.000000e+00 : f32
    %add3A_10 = vector.broadcast %add3A_9 : f32 to vector<2000x1xf32>
    %add3A_11 = arith.addf %add3A, %add3A_10 : vector<2000x1xf32>
    %rsqrt3A = math.rsqrt %add3A_11 : vector<2000x1xf32>
    %get3A_12 = arith.constant 0 : index
    %get3A_13 = arith.constant 0 : index
    %get3A_14 = vector.load %arg1[%get3A_12, %get3A_13] : memref<2000x128xf32, #tpu.memory_space<vmem>>, vector<2000x128xf32>
    %get3A_15 = arith.constant 0 : index
    %get3A_16 = arith.constant 0 : index
    %get3A_17 = vector.load %arg2[%get3A_15, %get3A_16] : memref<128x128xf32, #tpu.memory_space<vmem>>, vector<128x128xf32>
    %dot_general3A = arith.constant dense<0.000000e+00> : vector<2000x128xf32>
    %dot_general3A_18 = tpu.matmul %get3A_14, %get3A_17, %dot_general3A {dimension_numbers = #tpu.dot_dimension_numbers<[1], [0], [0], [1], [0, 0, 1, 1], [], []>, transpose_lhs_hint = false} : vector<2000x128xf32>, vector<128x128xf32>, vector<2000x128xf32> -> vector<2000x128xf32>
    %mul3A = vector.broadcast %rsqrt3A : vector<2000x1xf32> to vector<2000x128xf32>
    %mul3A_19 = arith.mulf %dot_general3A_18, %mul3A : vector<2000x128xf32>
    %swap3A = arith.constant 0 : index
    %swap3A_20 = arith.constant 0 : index
    %swap3A_21 = vector.load %arg4[%swap3A, %swap3A_20] : memref<2000x128xf32, #tpu.memory_space<vmem>>, vector<2000x128xf32>
    tpu.vector_store %arg4[%swap3A, %swap3A_20], %mul3A_19 {strides = array<i32>} : memref<2000x128xf32, #tpu.memory_space<vmem>>, vector<2000x128xf32>,
    %swap3A_22 = arith.constant 0 : index
    %swap3A_23 = arith.constant 0 : index
    %swap3A_24 = vector.load %arg5[%swap3A_22, %swap3A_23] : memref<2000x1xf32, #tpu.memory_space<vmem>>, vector<2000x1xf32>
    tpu.vector_store %arg5[%swap3A_22, %swap3A_23], %rsqrt3A {strides = array<i32>} : memref<2000x1xf32, #tpu.memory_space<vmem>>, vector<2000x1xf32>,
    return
  }
  func.func @transform_0(%arg0: i32) -> (i32, i32) {
    %c0_i32 = arith.constant 0 : i32
    %c0_i32_0 = arith.constant 0 : i32
    return %arg0, %c0_i32 : i32, i32
  }
  func.func @transform_1(%arg0: i32) -> (i32, i32) {
    %c0_i32 = arith.constant 0 : i32
    %c0_i32_0 = arith.constant 0 : i32
    %c0_i32_1 = arith.constant 0 : i32
    return %c0_i32, %c0_i32_0 : i32, i32
  }
  func.func @transform_2(%arg0: i32) -> (i32, i32, i32) {
    %c0_i32 = arith.constant 0 : i32
    %c0_i32_0 = arith.constant 0 : i32
    %c0_i32_1 = arith.constant 0 : i32
    return %c0_i32, %arg0, %c0_i32_0 : i32, i32, i32
  }
  func.func @transform_3(%arg0: i32) -> (i32, i32) {
    %c0_i32 = arith.constant 0 : i32
    %c0_i32_0 = arith.constant 0 : i32
    return %arg0, %c0_i32 : i32, i32
  }
  func.func @transform_4(%arg0: i32) -> (i32, i32) {
    %c0_i32 = arith.constant 0 : i32
    %c0_i32_0 = arith.constant 0 : i32
    return %arg0, %c0_i32 : i32, i32
  }
}

module attributes {stable_mosaic.version = 14 : i64} {
  func.func @_tc2_body(%arg0: i32, %arg1: memref<2x2000x128xf32, #tpu.memory_space<vmem>>, %arg2: memref<2000x128xf32, #tpu.memory_space<vmem>>, %arg3: memref<2000x1xf32, #tpu.memory_space<vmem>>, %arg4: memref<1x128xf32, #tpu.memory_space<vmem>>, %arg5: memref<128x128xf32, #tpu.memory_space<vmem>>, %arg6: memref<2000x128xf32, #tpu.memory_space<vmem>>) attributes {dimension_semantics = [#tpu.dimension_semantics<arbitrary>], iteration_bounds = array<i64: 5>, scalar_prefetch = 0 : i64, scratch_operands = 0 : i64, tpu.core_type = #tpu.core_type<tc>, window_params = [{transform_indices = @transform_0, window_bounds = array<i64: 2, 2000, 128>}, {transform_indices = @transform_1, window_bounds = array<i64: 2000, 128>}, {transform_indices = @transform_2, window_bounds = array<i64: 2000, 1>}, {pipeline_mode = #tpu.pipeline_mode<synchronous>, transform_indices = @transform_3, window_bounds = array<i64: 1, 128>}, {pipeline_mode = #tpu.pipeline_mode<synchronous>, transform_indices = @transform_4, window_bounds = array<i64: 128, 128>}, {transform_indices = @transform_5, window_bounds = array<i64: 2000, 128>}]} {
    %get3A = arith.constant 0 : index
    %get3A_0 = arith.constant 0 : index
    %get3A_1 = vector.load %arg3[%get3A, %get3A_0] : memref<2000x1xf32, #tpu.memory_space<vmem>>, vector<2000x1xf32>
    %get3A_2 = arith.constant 0 : index
    %get3A_3 = arith.constant 0 : index
    %get3A_4 = arith.constant 0 : index
    %get3A_5 = vector.load %arg1[%get3A_2, %get3A_3, %get3A_4] : memref<2x2000x128xf32, #tpu.memory_space<vmem>>, vector<1x2000x128xf32>
    %get3A_6 = vector.shape_cast %get3A_5 : vector<1x2000x128xf32> to vector<2000x128xf32>
    %get3A_7 = arith.constant 1 : index
    %get3A_8 = arith.constant 0 : index
    %get3A_9 = arith.constant 0 : index
    %get3A_10 = vector.load %arg1[%get3A_7, %get3A_8, %get3A_9] : memref<2x2000x128xf32, #tpu.memory_space<vmem>>, vector<1x2000x128xf32>
    %get3A_11 = vector.shape_cast %get3A_10 : vector<1x2000x128xf32> to vector<2000x128xf32>
    %add3A = arith.addf %get3A_6, %get3A_11 : vector<2000x128xf32>
    %get3A_12 = arith.constant 0 : index
    %get3A_13 = arith.constant 0 : index
    %get3A_14 = vector.load %arg2[%get3A_12, %get3A_13] : memref<2000x128xf32, #tpu.memory_space<vmem>>, vector<2000x128xf32>
    %add3A_15 = arith.addf %add3A, %get3A_14 : vector<2000x128xf32>
    %mul3A = vector.broadcast %get3A_1 : vector<2000x1xf32> to vector<2000x128xf32>
    %mul3A_16 = arith.mulf %mul3A, %add3A_15 : vector<2000x128xf32>
    %get3A_17 = arith.constant 0 : index
    %get3A_18 = arith.constant 0 : index
    %get3A_19 = vector.load %arg4[%get3A_17, %get3A_18] : memref<1x128xf32, #tpu.memory_space<vmem>>, vector<1x128xf32>
    %add3A_20 = vector.broadcast %get3A_19 : vector<1x128xf32> to vector<2000x128xf32>
    %add3A_21 = arith.addf %mul3A_16, %add3A_20 : vector<2000x128xf32>
    %max3A = arith.constant 0.000000e+00 : f32
    %max3A_22 = vector.broadcast %max3A : f32 to vector<2000x128xf32>
    %max3A_23 = arith.maximumf %add3A_21, %max3A_22 : vector<2000x128xf32>
    %get3A_24 = arith.constant 0 : index
    %get3A_25 = arith.constant 0 : index
    %get3A_26 = vector.load %arg5[%get3A_24, %get3A_25] : memref<128x128xf32, #tpu.memory_space<vmem>>, vector<128x128xf32>
    %dot_general3A = arith.constant dense<0.000000e+00> : vector<2000x128xf32>
    %dot_general3A_27 = tpu.matmul %max3A_23, %get3A_26, %dot_general3A {dimension_numbers = #tpu.dot_dimension_numbers<[1], [0], [0], [1], [0, 0, 1, 1], [], []>, transpose_lhs_hint = false} : vector<2000x128xf32>, vector<128x128xf32>, vector<2000x128xf32> -> vector<2000x128xf32>
    %mul3A_28 = vector.broadcast %get3A_1 : vector<2000x1xf32> to vector<2000x128xf32>
    %mul3A_29 = arith.mulf %dot_general3A_27, %mul3A_28 : vector<2000x128xf32>
    %swap3A = arith.constant 0 : index
    %swap3A_30 = arith.constant 0 : index
    %swap3A_31 = vector.load %arg6[%swap3A, %swap3A_30] : memref<2000x128xf32, #tpu.memory_space<vmem>>, vector<2000x128xf32>
    tpu.vector_store %arg6[%swap3A, %swap3A_30], %mul3A_29 {strides = array<i32>} : memref<2000x128xf32, #tpu.memory_space<vmem>>, vector<2000x128xf32>,
    return
  }
  func.func @transform_0(%arg0: i32) -> (i32, i32, i32) {
    %c0_i32 = arith.constant 0 : i32
    %c0_i32_0 = arith.constant 0 : i32
    %c0_i32_1 = arith.constant 0 : i32
    return %c0_i32, %arg0, %c0_i32_0 : i32, i32, i32
  }
  func.func @transform_1(%arg0: i32) -> (i32, i32) {
    %c0_i32 = arith.constant 0 : i32
    %c0_i32_0 = arith.constant 0 : i32
    return %arg0, %c0_i32 : i32, i32
  }
  func.func @transform_2(%arg0: i32) -> (i32, i32) {
    %c0_i32 = arith.constant 0 : i32
    %c0_i32_0 = arith.constant 0 : i32
    return %arg0, %c0_i32 : i32, i32
  }
  func.func @transform_3(%arg0: i32) -> (i32, i32) {
    %c0_i32 = arith.constant 0 : i32
    %c0_i32_0 = arith.constant 0 : i32
    %c0_i32_1 = arith.constant 0 : i32
    return %c0_i32, %c0_i32_0 : i32, i32
  }
  func.func @transform_4(%arg0: i32) -> (i32, i32) {
    %c0_i32 = arith.constant 0 : i32
    %c0_i32_0 = arith.constant 0 : i32
    %c0_i32_1 = arith.constant 0 : i32
    return %c0_i32, %c0_i32_0 : i32, i32
  }
  func.func @transform_5(%arg0: i32) -> (i32, i32) {
    %c0_i32 = arith.constant 0 : i32
    %c0_i32_0 = arith.constant 0 : i32
    return %arg0, %c0_i32 : i32, i32
  }
}

module attributes {stable_mosaic.version = 14 : i64} {
  func.func @_tc3_body(%arg0: i32, %arg1: memref<2x2000x128xf32, #tpu.memory_space<vmem>>, %arg2: memref<2000x128xf32, #tpu.memory_space<vmem>>, %arg3: memref<2000x1xf32, #tpu.memory_space<vmem>>, %arg4: memref<1x128xf32, #tpu.memory_space<vmem>>, %arg5: memref<2000x128xf32, #tpu.memory_space<vmem>>) attributes {dimension_semantics = [#tpu.dimension_semantics<arbitrary>], iteration_bounds = array<i64: 5>, scalar_prefetch = 0 : i64, scratch_operands = 0 : i64, tpu.core_type = #tpu.core_type<tc>, window_params = [{transform_indices = @transform_0, window_bounds = array<i64: 2, 2000, 128>}, {transform_indices = @transform_1, window_bounds = array<i64: 2000, 128>}, {transform_indices = @transform_2, window_bounds = array<i64: 2000, 1>}, {pipeline_mode = #tpu.pipeline_mode<synchronous>, transform_indices = @transform_3, window_bounds = array<i64: 1, 128>}, {transform_indices = @transform_4, window_bounds = array<i64: 2000, 128>}]} {
    %get3A = arith.constant 0 : index
    %get3A_0 = arith.constant 0 : index
    %get3A_1 = vector.load %arg3[%get3A, %get3A_0] : memref<2000x1xf32, #tpu.memory_space<vmem>>, vector<2000x1xf32>
    %get3A_2 = arith.constant 0 : index
    %get3A_3 = arith.constant 0 : index
    %get3A_4 = arith.constant 0 : index
    %get3A_5 = vector.load %arg1[%get3A_2, %get3A_3, %get3A_4] : memref<2x2000x128xf32, #tpu.memory_space<vmem>>, vector<1x2000x128xf32>
    %get3A_6 = vector.shape_cast %get3A_5 : vector<1x2000x128xf32> to vector<2000x128xf32>
    %get3A_7 = arith.constant 1 : index
    %get3A_8 = arith.constant 0 : index
    %get3A_9 = arith.constant 0 : index
    %get3A_10 = vector.load %arg1[%get3A_7, %get3A_8, %get3A_9] : memref<2x2000x128xf32, #tpu.memory_space<vmem>>, vector<1x2000x128xf32>
    %get3A_11 = vector.shape_cast %get3A_10 : vector<1x2000x128xf32> to vector<2000x128xf32>
    %add3A = arith.addf %get3A_6, %get3A_11 : vector<2000x128xf32>
    %get3A_12 = arith.constant 0 : index
    %get3A_13 = arith.constant 0 : index
    %get3A_14 = vector.load %arg2[%get3A_12, %get3A_13] : memref<2000x128xf32, #tpu.memory_space<vmem>>, vector<2000x128xf32>
    %add3A_15 = arith.addf %add3A, %get3A_14 : vector<2000x128xf32>
    %mul3A = vector.broadcast %get3A_1 : vector<2000x1xf32> to vector<2000x128xf32>
    %mul3A_16 = arith.mulf %mul3A, %add3A_15 : vector<2000x128xf32>
    %get3A_17 = arith.constant 0 : index
    %get3A_18 = arith.constant 0 : index
    %get3A_19 = vector.load %arg4[%get3A_17, %get3A_18] : memref<1x128xf32, #tpu.memory_space<vmem>>, vector<1x128xf32>
    %add3A_20 = vector.broadcast %get3A_19 : vector<1x128xf32> to vector<2000x128xf32>
    %add3A_21 = arith.addf %mul3A_16, %add3A_20 : vector<2000x128xf32>
    %reduce_max3A = arith.constant dense<0xFF800000> : vector<2000xf32>
    %reduce_max3A_22 = vector.multi_reduction <maximumf>, %add3A_21, %reduce_max3A [1] : vector<2000x128xf32> to vector<2000xf32>
    %broadcast_in_dim3A = vector.shape_cast %reduce_max3A_22 : vector<2000xf32> to vector<2000x1xf32>
    %sub3A = vector.broadcast %broadcast_in_dim3A : vector<2000x1xf32> to vector<2000x128xf32>
    %sub3A_23 = arith.subf %add3A_21, %sub3A : vector<2000x128xf32>
    %exp3A = math.exp %sub3A_23 : vector<2000x128xf32>
    %reduce_sum3A = arith.constant dense<0.000000e+00> : vector<2000xf32>
    %reduce_sum3A_24 = vector.multi_reduction <add>, %exp3A, %reduce_sum3A [1] : vector<2000x128xf32> to vector<2000xf32>
    %broadcast_in_dim3A_25 = vector.shape_cast %reduce_sum3A_24 : vector<2000xf32> to vector<2000x1xf32>
    %log3A = math.log %broadcast_in_dim3A_25 : vector<2000x1xf32>
    %add3A_26 = arith.addf %log3A, %broadcast_in_dim3A : vector<2000x1xf32>
    %sub3A_27 = vector.broadcast %add3A_26 : vector<2000x1xf32> to vector<2000x128xf32>
    %sub3A_28 = arith.subf %add3A_21, %sub3A_27 : vector<2000x128xf32>
    %swap3A = arith.constant 0 : index
    %swap3A_29 = arith.constant 0 : index
    %swap3A_30 = vector.load %arg5[%swap3A, %swap3A_29] : memref<2000x128xf32, #tpu.memory_space<vmem>>, vector<2000x128xf32>
    tpu.vector_store %arg5[%swap3A, %swap3A_29], %sub3A_28 {strides = array<i32>} : memref<2000x128xf32, #tpu.memory_space<vmem>>, vector<2000x128xf32>,
    return
  }
  func.func @transform_0(%arg0: i32) -> (i32, i32, i32) {
    %c0_i32 = arith.constant 0 : i32
    %c0_i32_0 = arith.constant 0 : i32
    %c0_i32_1 = arith.constant 0 : i32
    return %c0_i32, %arg0, %c0_i32_0 : i32, i32, i32
  }
  func.func @transform_1(%arg0: i32) -> (i32, i32) {
    %c0_i32 = arith.constant 0 : i32
    %c0_i32_0 = arith.constant 0 : i32
    return %arg0, %c0_i32 : i32, i32
  }
  func.func @transform_2(%arg0: i32) -> (i32, i32) {
    %c0_i32 = arith.constant 0 : i32
    %c0_i32_0 = arith.constant 0 : i32
    return %arg0, %c0_i32 : i32, i32
  }
  func.func @transform_3(%arg0: i32) -> (i32, i32) {
    %c0_i32 = arith.constant 0 : i32
    %c0_i32_0 = arith.constant 0 : i32
    %c0_i32_1 = arith.constant 0 : i32
    return %c0_i32, %c0_i32_0 : i32, i32
  }
  func.func @transform_4(%arg0: i32) -> (i32, i32) {
    %c0_i32 = arith.constant 0 : i32
    %c0_i32_0 = arith.constant 0 : i32
    return %arg0, %c0_i32 : i32, i32
  }
}

</mosaic_0001>

<sc_bundles>
// kernel: kernel.11.cloned.1.call-start
scs
__scs_entry_jumppad:
0x0: {  	(pc) =	sbr.rel $0x88, $3  }
0x1: {  	(tag) =	ssettag $0x0;
	lr =	simm.s32 $0x1  }
0x2: {  	[smem:$0x3F9B] =	sst lr;
	_ =	strace $0xD0000000  }
0x3: {  	_ = 	snop  }
0x4: {  	_ = 	snop  }
0x5: {  	_ = 	snop  }
0x6: {  	_ = 	snop  }
0x7: {  	_ = 	snop  }
__scs_overlays_trampoline_lowered:
0x8: {  	[smem:$0x3FAA] =	sst s0  }
0x9: {  	[smem:$0x3FAB] =	sst s1  }
0xa: {  	[smem:$0x3FAC] =	sst s2  }
0xb: {  	[smem:$0x3FAD] =	sst s3  }
0xc: {  	[smem:$0x3FAE] =	sst s4  }
0xd: {  	[smem:$0x3FAF] =	sst s5  }
0xe: {  	[smem:$0x3FB0] =	sst s6  }
0xf: {  	[smem:$0x3FB1] =	sst s7  }
0x10: {  	[smem:$0x3FB2] =	sst s8  }
0x11: {  	[smem:$0x3FB3] =	sst s9;
	s0 =	simm.s32 @!p0 $0x0  }
0x12: {  	s1 =	sld [smem:$0x3F99];
	s0 =	simm.s32 @p0 $0x1  }
0x13: {  	[smem:$0x3FB4] =	sst s0;
	s0 =	simm.s32 @!p1 $0x0  }
0x14: {  	s2 =	sld [smem:$0x3F98];
	s0 =	simm.s32 @p1 $0x1  }
0x15: {  	[smem:$0x3FB5] =	sst s0;
	s0 =	simm.s32 @!p2 $0x0  }
0x16: {  	s3 =	sld [smem:$0x3FDB];
	s0 =	simm.s32 @p2 $0x1  }
0x17: {  	s4 =	simm.s32 $0x1BF5;
	[smem:$0x3FB7] =	sst s0  }
0x18: {  	s0 =	sld [smem:$0x3F9A];
	_ =	swait.ge [sflag:s4], $0x0  }
0x19: {  	s7 =	sld [smem:$0x3F9B]  }
0x1a: {  	s8 =	sadd.s32 $0xFFFFE003, lr  }
0x1b: {  	s9 =	sadd.s32 $0xFFFFFEF7, lr;
	s5 =	simm.s32 $0xFFFFFFFF;
	p2 =	slt.u32 s8, $0xFFFFF086  }
0x1c: {  	p1 =	slt.u32 s9, $0xF7A;
	s5 =	simm.s32 @!p2 $0x0  }
0x1d: {  	s5 =	simm.s32 @p1 $0x1;
	p0 =	seq.s32 s7, s2  }
0x1e: {  	s7 =	smul.u32 @!p0 $0xF7A, s2;
	p2 =	seq.s32 @!p0 s5, $0x0  }
0x1f: {  	s9 =	smul.u32 $0xF7A, s1;
	s8 =	simm.s32 @!p0 $0x1BF5;
	p2 =	por !p2, p0  }
0x20: {  	[sflag:s8] =	ssyncset.s32 @!p0 $0xFFFFF086;
	s6 =	sadd.s32 @!p0 s3, s7;
	s7 =	simm.s32 @!p0 $0x108  }
0x21: {  	s3 =	sadd.s32 s3, s9;
	s6 =	sadd.s32 @!p0 $0x88, s6;
	s7 =	simm.s32 @p2 $0x1082  }
0x22: {  	[simem:s7], [sflag:s8] =	dma.local @!p0 [hbm:s6], $0xF7A  }
0x23: {  	s9 =	sor.u32 $0xD0000000, s2;
	s6 =	simm.s32 $0x108;
	_ =	swait.ge @!p0 [sflag:s8], $0x0  }
0x24: {  	s3 =	sadd.s32 $0x88, s3;
	s6 =	simm.s32 @!p1 $0x1082;
	[sflag:s4] =	ssyncset.s32 $0xFFFFF086  }
0x25: {  	[simem:s6], [sflag:s4] =	dma.local [hbm:s3], $0xF7A  }
0x26: {  	[smem:$0x3F9B] =	sst s1;
	(tag) =	ssettag s2;
	_ =	strace s9  }
0x27: {  	s1 =	sld [smem:$0x3FAB]  }
0x28: {  	s2 =	sld [smem:$0x3FAC]  }
0x29: {  	s4 =	sld [smem:$0x3FAE]  }
0x2a: {  	p0 =	seq.s32 s5, $0x0;
	s5 =	sld [smem:$0x3FAF]  }
0x2b: {  	s6 =	sld [smem:$0x3FB0]  }
0x2c: {  	s7 =	sld [smem:$0x3FB1]  }
0x2d: {  	s3 =	simm.s32 $0x108;
	s8 =	sld [smem:$0x3FB2]  }
0x2e: {  	s3 =	simm.s32 @!p0 $0x1082;
	s9 =	sld [smem:$0x3FB3]  }
0x2f: {  	lr =	sadd.s32 s0, s3;
	s0 =	sld [smem:$0x3FAA]  }
0x30: {  	s3 =	sld [smem:$0x3FAD]  }
0x31: {  	[smem:$0x3FB6] =	sst s10  }
0x32: {  	s10 =	sld [smem:$0x3FB4];
	_ =	sdelay $0x3  }
0x33: {  	p0 =	seq.s32 s10, $0x1;
	s10 =	sld [smem:$0x3FB6];
	_ =	sdelay $0x3  }
0x34: {  	[smem:$0x3FB6] =	sst s10  }
0x35: {  	s10 =	sld [smem:$0x3FB5];
	_ =	sdelay $0x3  }
0x36: {  	p1 =	seq.s32 s10, $0x1;
	s10 =	sld [smem:$0x3FB6];
	_ =	sdelay $0x3  }
0x37: {  	[smem:$0x3FB6] =	sst s10  }
0x38: {  	s10 =	sld [smem:$0x3FB7]  }
0x39: {  	_ = 	snop;
	(pc) =	sbr.ind lr, $3  }
0x3a: {  	_ = 	snop  }
0x3b: {  	_ = 	snop  }
0x3c: {  	p2 =	seq.s32 s10, $0x1;
	s10 =	sld [smem:$0x3FB6]  }
0x3d: {  	_ =	shalt  }
0x3e: {  	_ =	shalt  }
0x3f: {  	_ =	shalt  }
0x40: {  	_ =	shalt  }
0x41: {  	_ =	shalt  }
0x42: {  	_ =	shalt  }
0x43: {  	_ =	shalt  }
0x44: {  	_ =	shalt  }
0x45: {  	_ =	shalt  }
0x46: {  	_ =	shalt  }
0x47: {  	_ =	shalt  }
0x48: {  	_ =	shalt  }
0x49: {  	_ =	shalt  }
0x4a: {  	_ =	shalt  }
0x4b: {  	_ =	shalt  }
0x4c: {  	_ =	shalt  }
0x4d: {  	_ =	shalt  }
0x4e: {  	_ =	shalt  }
0x4f: {  	_ =	shalt  }
0x50: {  	_ =	shalt  }
0x51: {  	_ =	shalt  }
0x52: {  	_ =	shalt  }
0x53: {  	_ =	shalt  }
0x54: {  	_ =	shalt  }
0x55: {  	_ =	shalt  }
0x56: {  	_ =	shalt  }
0x57: {  	_ =	shalt  }
0x58: {  	_ =	shalt  }
0x59: {  	_ =	shalt  }
0x5a: {  	_ =	shalt  }
0x5b: {  	_ =	shalt  }
0x5c: {  	_ =	shalt  }
0x5d: {  	_ =	shalt  }
0x5e: {  	_ =	shalt  }
0x5f: {  	_ =	shalt  }
0x60: {  	_ =	shalt  }
0x61: {  	_ =	shalt  }
0x62: {  	_ =	shalt  }
0x63: {  	_ =	shalt  }
0x64: {  	_ =	shalt  }
0x65: {  	_ =	shalt  }
0x66: {  	_ =	shalt  }
0x67: {  	_ =	shalt  }
0x68: {  	_ =	shalt  }
0x69: {  	_ =	shalt  }
0x6a: {  	_ =	shalt  }
0x6b: {  	_ =	shalt  }
0x6c: {  	_ =	shalt  }
0x6d: {  	_ =	shalt  }
0x6e: {  	_ =	shalt  }
0x6f: {  	_ =	shalt  }
0x70: {  	_ =	shalt  }
0x71: {  	_ =	shalt  }
0x72: {  	_ =	shalt  }
0x73: {  	_ =	shalt  }
0x74: {  	_ =	shalt  }
0x75: {  	_ =	shalt  }
0x76: {  	_ =	shalt  }
0x77: {  	_ =	shalt  }
0x78: {  	_ =	shalt  }
0x79: {  	_ =	shalt  }
0x7a: {  	_ =	shalt  }
0x7b: {  	_ =	shalt  }
0x7c: {  	_ =	shalt  }
0x7d: {  	_ =	shalt  }
0x7e: {  	_ =	shalt  }
0x7f: {  	_ =	shalt  }
0x80: {  	_ =	shalt  }
0x81: {  	_ =	shalt  }
0x82: {  	_ =	shalt  }
0x83: {  	_ =	shalt  }
0x84: {  	_ =	shalt  }
0x85: {  	_ =	shalt  }
0x86: {  	_ =	shalt  }
0x87: {  	_ =	shalt  }
.Lfunc_end0:
.L_simem_size_0:
called_computation.1_lowered:
.L_overlay_start_0:
0x88: {  	s2 =	sld [smem:$0x3FD9]  }
0x89: {  	s3 =	sld [smem:$0x3FFE];
	_ =	sdelay $0x1  }
0x8a: {  	s1 =	srdreg.scid  }
0x8b: {  	s0 =	sand.u32 $0x1, s1  }
0x8c: {  	s17 =	sshll.u32 s0, $0xA;
	s2 =	sadd.s32 s3, s2  }
0x8d: {  	s2 =	sadd.s32 s2, s17  }
0x8e: {  	[smem:$0x3FC2] =	sst s2  }
0x8f: {  	_ = 	snop  }
0x90: {  	s2 =	sld [smem:$0x3FD0];
	(tm) =	ssettm $0x1  }
0x91: {  	s18 =	sld [smem:$0x3FFB];
	_ =	sdelay $0x3  }
0x92: {  	_ =	strace s18  }
0x93: {  	s3 =	sld [smem:$0x3FFC];
	_ =	sdelay $0x3  }
0x94: {  	_ =	strace s3  }
0x95: {  	s3 =	sld [smem:$0x3FFD];
	_ =	sdelay $0x3  }
0x96: {  	_ =	strace s3  }
0x97: {  	_ =	strace $0x8FFFFFFF  }
0x98: {  	s19 =	sld [smem:$0x3FDB];
	_ =	sdelay $0x1  }
0x99: {  	s4 =	simm.s32 $_scs_section_size  }
0x9a: {  	s5 =	simm.s32 $_size__tile_overlayer_lowered;
	s6 =	simm.s32 $_tile_overlayer_lowered  }
0x9b: {  	s22 =	simm.s32 $0x1BFF;
	s21 =	sshll.u32 s6, $0x1;
	s3 =	sadd.s32 s4, s19  }
0x9c: {  	s7 =	simm.s32 $0x0;
	s20 =	sshll.u32 s5, $0x1;
	s5 =	sadd.s32 s21, s3  }
0x9d: {  	[timem:s7], [sflag:s22] =	dma.local [hbm:s5], s20  }
0x9e: {  	_ =	swait.ge [sflag:s22], s20  }
0x9f: {  	s4 =	ssub.s32 $0x0, s20;
	[sflag:s22] =	ssyncset.done $0x0  }
0xa0: {  	[sflag:s22] =	ssyncadd.s32 s4;
	_ =	sdelay $0x1  }
0xa1: {  	s23 =	simm.s32 $0x1B8B  }
0xa2: {  	_ =	swait.ge [sflag:s23], $0x1  }
0xa3: {  	[sflag:s23] =	ssyncset.done $0x0  }
0xa4: {  	s25 =	simm.s32 $0x1B8E;
	s24 =	sld [smem:$0x3FFE];
	[sflag:s23] =	ssyncadd.s32 $0xFFFFFFFF  }
0xa5: {  	s26 =	simm.s32 $execute0_lowered;
	[smem:$0x3FD2] =	sst s25  }
0xa6: {  	s5 =	sshll.u32 s26, $0x1;
	_ =	strace $0x80000049;
	[dreg:$0x1] =	wrdreg $0xFFFFFFFF  }
0xa7: {  	s28 =	simm.s32 $_size_execute0_lowered;
	s3 =	sadd.s32 s3, s5;
	[dreg:$0x0] =	wrdreg $0x0  }
0xa8: {  	s5 =	sshll.u32 s28, $0x1;
	[dreg:$0x2] =	wrdreg s3  }
0xa9: {  	[dreg:$0x3] =	wrdreg s5  }
0xaa: {  	[dreg:$0x4] =	wrdreg $0xC0  }
0xab: {  	_ =	task [dreg:s7], $0x5FFFF  }
0xac: {  	[dreg:$0x1] =	wrdreg $0xFFFFFFFF  }
0xad: {  	[dreg:$0x0] =	wrdreg $0x60  }
0xae: {  	[dreg:$0x2] =	wrdreg s2  }
0xaf: {  	[dreg:$0x3] =	wrdreg s24  }
0xb0: {  	[dreg:$0x4] =	wrdreg $0xB7800  }
0xb1: {  	[dreg:$0x5] =	wrdreg $0x9  }
0xb2: {  	_ =	task.clear_ibuf [dreg:s7], $0x6FFFF;
	_ =	strace $0x90000049  }
0xb3: {  	s29 =	simm.s32 $0x9;
	_ =	strace $0x8000004B  }
0xb4: {  	_ =	swait.ge [sflag:s29], $0x1  }
0xb5: {  	[sflag:s29] =	ssyncadd.s32 $0xFFFFFFFF  }
0xb6: {  	_ =	strace $0x9000004B  }
0xb7: {  	_ =	sfence  }
0xb8: {  	s30 =	sld [smem:$0x0];
	_ =	sdelay $0x2  }
0xb9: {  	s31 =	sshll.u32 s1, $0xD;
	s1 =	sshrl.u32 s1, $0x2  }
0xba: {  	s3 =	sand.u32 $0x4000, s31;
	s1 =	sadd.s32 s1, s30  }
0xbb: {  	s0 =	sor.u32 s3, s0;
	s1 =	sshll.u32 s1, $0x11  }
0xbc: {  	s0 =	sor.u32 s1, s0  }
0xbd: {  	s0 =	sadd.s32 $0x8F2B, s0  }
0xbe: {  	[sflag:s0] =	ssyncadd.remote.s32 $0x1  }
0xbf: {  	_ =	sfence.sel $0xFFFF  }
0xc0: {  	[dreg:$0x0] =	wrdreg $0xFFFFFFFF;
	(pc) =	sbr.abs _section_cstart, $3  }
0xc1: {  	[dreg:$0x1] =	wrdreg $0xFFFFFFFF  }
0xc2: {  	_ =	task.clear_ibuf [dreg:s7], $0x2FFFF;
	_ =	strace $0x9FFFFFFF  }
0xc3: {  	(tm) =	ssettm $0x7FFFFFFF  }
tec
execute0_lowered:
.L_overlay_start_1:
0x0: {  	(tag) =	ssettag $0x1  }
0x1: {  	s2 =	srdreg.scid;
	s1 =	rddreg [dreg:$0x0]  }
0x2: {  	s0 =	stileid.u32;
	s6 =	rddreg [dreg:$0x1]  }
0x3: {  	s3 =	rddreg [dreg:$0x2];
	s14 =	simm.s32 $0x2780;
	s15 =	simm.s32 $0x1  }
0x4: {  	s16 =	simm.s32 $0x50;
	s17 =	simm.s32 $0x6780;
	s18 =	simm.s32 $0x2  }
0x5: {  	s19 =	simm.s32 $0x3;
	s20 =	simm.s32 $0x8F80;
	s21 =	simm.s32 $0x4  }
0x6: {  	s22 =	simm.s32 $0x6580;
	s5 =	sand.u32 $0x1, s2;
	s26 =	smul.u32 $0x13C00, s0  }
0x7: {  	s24 =	sshll.u32 s0, $0x1;
	s25 =	sshrl.u32 s0, $0x2;
	s29 =	smul.u32 $0x4F000, s0  }
0x8: {  	s2 =	rddreg [dreg:$0x3];
	s23 =	sshll.u32 s0, $0x6;
	s8 =	smul.u32 $0x13C00, s25  }
0x9: {  	s7 =	sor.u32 s5, s24;
	s10 =	smul.u32 $0x13C000, s5;
	s5 =	ssub.s32 $0x2, s5  }
0xa: {  	s24 =	simm.s32 $0x0;
	s4 =	sshll.u32 s7, $0x7;
	s7 =	sshll.u32 s7, $0xB  }
0xb: {  	s28 =	sshrl.u32 s26, $0x3;
	s30 =	sshrl.u32 s5, $0x1;
	s31 =	sshrl.u32 s29, $0x2  }
0xc: {  	s9 =	sand.u32 $0x380, s4;
	s4 =	simm.s32 $0x0;
	s11 =	sadd.s32 s7, s6  }
0xd: {  	s7 =	sadd.s32 s28, s6;
	s12 =	ssub.s32 s5, s30;
	s13 =	sadd.s32 s31, s3  }
0xe: {  	s8 =	sor.u32 s8, s9;
	[smem:$0x7FF] =	sst s4;
	s9 =	sadd.s32 s26, s10  }
0xf: {  	s5 =	sadd.s32 $0x12600, s7;
	s10 =	smax.u32 s12, $0x1;
	s12 =	simm.s32 $0x80  }
0x10: {  	s8 =	sshrl.u32 s8, $0x3;
	_ =	strace $0x8000004A;
	s9 =	sshrl.u32 s9, $0x3  }
0x11: {  	s8 =	sadd.s32 s8, s6;
	s9 =	sadd.s32 s9, s6;
	s6 =	sor.u32 $0x1C03, s23  }
0x12: {  	s23 =	sor.u32 $0x1C04, s23;
	s7 =	sadd.s32 $0x88E00, s8;
	s8 =	sadd.s32 $0x2600, s11  }
0x13: {  	s9 =	sadd.s32 $0x39E00, s9;
	s11 =	sshrl.u32 s13, $0x3;
	s13 =	simm.s32 $0x400  }
.LBB2_1:
0x14: {  	[spmem:s11], [sflag:s6] =	dma.local [hbm:s5], $0x2780  }
0x15: {  	[tilespmem:s4], [sflag:$0x1] =	stream.strided.gather [hbm4b:s7+s12], $0x2780, s13, s12, $0x38;
	[tilespmem:$0x1F380] =	vst v63  }
0x16: {  	_ = 	snop  }
0x17: {  	[tilespmem:s14], [sflag:$0x2] =	stream.linear.gather [hbm4b:s8+s4], $0x3E80, $0x38;
	[tilespmem:$0x1F380] =	vst v63  }
0x18: {  	_ =	swait.ge [sflag:s15], $0x2780  }
0x19: {  	[sflag:s15] =	ssyncset.done $0x0  }
0x1a: {  	[sflag:s15] =	ssyncadd.s32 $0xFFFFD880  }
0x1b: {  	[tilespmem:s17], [sflag:$0x1] =	stream.indirect.gather [hbm4b:s1+s16], $0x80, s4, s16, $0xb8;
	[tilespmem:$0x1F380] =	vst v63  }
0x1c: {  	_ =	swait.ge [sflag:s18], $0x3E80  }
0x1d: {  	[sflag:s18] =	ssyncset.done $0x0  }
0x1e: {  	[sflag:s18] =	ssyncadd.s32 $0xFFFFC180  }
0x1f: {  	_ =	swait.ge [sflag:s19], $0x2780  }
0x20: {  	[sflag:s19] =	ssyncset.done $0x0  }
0x21: {  	[sflag:s19] =	ssyncadd.s32 $0xFFFFD880  }
0x22: {  	s25 =	simm.s32 $0x50;
	[bflag:$0x0] =	sbarrier.arrive $0xFFFF  }
0x23: {  	[tilespmem:s20], [sflag:$0x2] =	stream.indirect.gather [hbm4b:s1+s16], $0x80, s25, s16, $0xb8;
	[tilespmem:$0x1F380] =	vst v63  }
0x24: {  	_ =	swait.ge [sflag:s15], $0x2800  }
0x25: {  	[sflag:s15] =	ssyncset.done $0x0  }
0x26: {  	s29 =	simm.s32 $0x2780;
	[sflag:s15] =	ssyncadd.s32 $0xFFFFD800  }
0x27: {  	[spmem:s3] =	stream.indirect.scatter.add.f32 [tilespmem:s17], [sflag:$0x4], $0x80, s29, s16, $0xb8;
	[tilespmem:$0x1F380] =	vst v63  }
0x28: {  	_ =	swait.ge [sflag:s21], $0x2800  }
0x29: {  	[sflag:s21] =	ssyncset.done $0x0  }
0x2a: {  	s30 =	simm.s32 $0xA0;
	[sflag:s21] =	ssyncadd.s32 $0xFFFFD800  }
0x2b: {  	[tilespmem:s17], [sflag:$0x1] =	stream.indirect.gather [hbm4b:s1+s16], $0x80, s30, s16, $0xb8;
	[tilespmem:$0x1F380] =	vst v63  }
0x2c: {  	_ =	swait.ge [sflag:s18], $0x2800  }
0x2d: {  	[sflag:s18] =	ssyncset.done $0x0  }
0x2e: {  	s31 =	simm.s32 $0x2800;
	[sflag:s18] =	ssyncadd.s32 $0xFFFFD800  }
0x2f: {  	[spmem:s3] =	stream.indirect.scatter.add.f32 [tilespmem:s20], [sflag:$0x4], $0x80, s31, s16, $0xb8;
	[tilespmem:$0x1F380] =	vst v63  }
0x30: {  	s26 =	simm.s32 $0x400;
	_ =	swait.ge [sflag:s21], $0x2800  }
0x31: {  	s28 =	simm.s32 $0x800;
	s25 =	simm.s32 $0x140;
	[sflag:s21] =	ssyncset.done $0x0  }
.LBB2_2:
0x32: {  	p0 =	sne.s32 s28, $0xF400;
	s29 =	sadd.s32 $0xFFFFFFB0, s25;
	[sflag:s21] =	ssyncadd.s32 $0xFFFFD800  }
0x33: {  	[tilespmem:s20], [sflag:$0x2] =	stream.indirect.gather [hbm4b:s1+s16], $0x80, s29, s16, $0xb8;
	[tilespmem:$0x1F380] =	vst v63  }
0x34: {  	s29 =	smov.u32 s28;
	s28 =	sadd.s32 $0x400, s28;
	_ =	swait.ge [sflag:s15], $0x2800  }
0x35: {  	s30 =	sshra.s32 s26, $0x2;
	s26 =	smov.u32 s29;
	[sflag:s15] =	ssyncset.done $0x0  }
0x36: {  	s29 =	sadd.s32 $0x2780, s30;
	[sflag:s15] =	ssyncadd.s32 $0xFFFFD800  }
0x37: {  	[spmem:s3] =	stream.indirect.scatter.add.f32 [tilespmem:s17], [sflag:$0x4], $0x80, s29, s16, $0xb8;
	[tilespmem:$0x1F380] =	vst v63  }
0x38: {  	_ =	swait.ge [sflag:s21], $0x2800  }
0x39: {  	[sflag:s21] =	ssyncset.done $0x0  }
0x3a: {  	[sflag:s21] =	ssyncadd.s32 $0xFFFFD800  }
0x3b: {  	[tilespmem:s17], [sflag:$0x1] =	stream.indirect.gather [hbm4b:s1+s16], $0x80, s25, s16, $0xb8;
	[tilespmem:$0x1F380] =	vst v63  }
0x3c: {  	_ =	swait.ge [sflag:s18], $0x2800  }
.Ltmp0:
0x3d: {  	[sflag:s18] =	ssyncset.done $0x0;
	(pc) =	sbr.rel @p0 .LBB2_2-.Ltmp0, $4  }
0x3e: {  	s29 =	sadd.s32 $0x2800, s30;
	[sflag:s18] =	ssyncadd.s32 $0xFFFFD800  }
0x3f: {  	[spmem:s3] =	stream.indirect.scatter.add.f32 [tilespmem:s20], [sflag:$0x4], $0x80, s29, s16, $0xb8;
	[tilespmem:$0x1F380] =	vst v63  }
0x40: {  	_ =	swait.ge [sflag:s21], $0x2800  }
0x41: {  	s25 =	sadd.s32 $0xA0, s25;
	[sflag:s21] =	ssyncset.done $0x0  }
0x42: {  	s28 =	sadd.s32 $0xFFFFFFB0, s25;
	[sflag:s21] =	ssyncadd.s32 $0xFFFFD800  }
0x43: {  	[tilespmem:s20], [sflag:$0x2] =	stream.indirect.gather [hbm4b:s1+s16], $0x80, s28, s16, $0xb8;
	[tilespmem:$0x1F380] =	vst v63  }
0x44: {  	_ =	swait.ge [sflag:s15], $0x2800  }
0x45: {  	s26 =	sshra.s32 s26, $0x2;
	[sflag:s15] =	ssyncset.done $0x0  }
0x46: {  	s30 =	sadd.s32 $0x2780, s26;
	[sflag:s15] =	ssyncadd.s32 $0xFFFFD800  }
0x47: {  	[spmem:s3] =	stream.indirect.scatter.add.f32 [tilespmem:s17], [sflag:$0x4], $0x80, s30, s16, $0xb8;
	[tilespmem:$0x1F380] =	vst v63  }
0x48: {  	_ =	swait.ge [sflag:s21], $0x2800  }
0x49: {  	[sflag:s21] =	ssyncset.done $0x0  }
0x4a: {  	[sflag:s21] =	ssyncadd.s32 $0xFFFFD800  }
0x4b: {  	[tilespmem:s17], [sflag:$0x1] =	stream.indirect.gather [hbm4b:s1+s16], $0x80, s25, s16, $0xb8;
	[tilespmem:$0x1F380] =	vst v63  }
0x4c: {  	_ =	swait.ge [sflag:s18], $0x2800  }
0x4d: {  	[sflag:s18] =	ssyncset.done $0x0  }
0x4e: {  	s31 =	sadd.s32 $0x2800, s26;
	[sflag:s18] =	ssyncadd.s32 $0xFFFFD800  }
0x4f: {  	[spmem:s3] =	stream.indirect.scatter.add.f32 [tilespmem:s20], [sflag:$0x4], $0x80, s31, s16, $0xb8;
	[tilespmem:$0x1F380] =	vst v63  }
0x50: {  	_ =	swait.ge [sflag:s21], $0x2800  }
0x51: {  	[sflag:s21] =	ssyncset.done $0x0  }
0x52: {  	[sflag:s21] =	ssyncadd.s32 $0xFFFFD800  }
0x53: {  	_ =	swait.ge [sflag:s15], $0x2800  }
0x54: {  	[sflag:s15] =	ssyncset.done $0x0  }
0x55: {  	[sflag:s15] =	ssyncadd.s32 $0xFFFFD800  }
0x56: {  	[spmem:s3] =	stream.indirect.scatter.add.f32 [tilespmem:s17], [sflag:$0x4], $0x80, s22, s16, $0xb8;
	[tilespmem:$0x1F380] =	vst v63  }
0x57: {  	_ =	swait.ge [sflag:s21], $0x2800  }
0x58: {  	s24 =	sadd.s32 $0x1, s24;
	[sflag:s21] =	ssyncset.done $0x0  }
0x59: {  	p0 =	sne.s32 s24, s10;
	[sflag:s21] =	ssyncadd.s32 $0xFFFFD800  }
.Ltmp1:
0x5a: {  	[bflag:$0x0] =	sbarrier.arrive $0xFFFF;
	(pc) =	sbr.rel @p0 .LBB2_1-.Ltmp1, $4  }
0x5b: {  	[hbm:s9], [sflag:s23] =	dma.local [spmem:s11], $0x2780  }
0x5c: {  	_ =	swait.ge [sflag:s21], $0x2780  }
0x5d: {  	[sflag:s21] =	ssyncset.done $0x0  }
0x5e: {  	[sflag:s21] =	ssyncadd.s32 $0xFFFFD880  }
0x5f: {  	_ =	sfence.sel $0x180000  }
0x60: {  	[bflag:$0x0] =	sbarrier.arrive $0xFFFF  }
0x61: {  	p0 =	sne.s32 s0, $0x0;
	_ =	strace $0x9000004A  }
0x62: {  	s0 =	sadd.s32 @!p0 $0x100000, s2;
	[bflag:$0x2] =	sbarrier.arrive $0xFFFF  }
0x63: {  	[sflag:s0] =	ssyncadd.tile.s32 @!p0 $0x1;
	_ =	shalt  }
.Lfunc_end2:
_tile_overlayer_lowered:
.L_overlay_start_2:
0x64: {  	(tag) =	ssettag $0x2  }
0x65: {  	s0 =	rddreg [dreg:$0x0];
	s2 =	stileid.u32  }
0x66: {  	s1 =	rddreg [dreg:$0x1];
	p0 =	sne.s32 s2, $0x0  }
0x67: {  	s3 =	rddreg [dreg:$0x2];
	[bflag:$0x3] =	sbarrier.arrive $0xFFFF;
	s2 =	simm.s32 @!p0 $0x1C04  }
0x68: {  	[timem:s3], [sflag:s2] =	dma.local @!p0 [hbm:s0], s1  }
0x69: {  	s0 =	simm.s32 @!p0 $0x4  }
0x6a: {  	_ =	swait.ge @!p0 [sflag:s0], s1  }
0x6b: {  	s1 =	ssub.s32 @!p0 $0x0, s1;
	[sflag:s0] =	ssyncset.done @!p0 $0x0  }
0x6c: {  	[sflag:s0] =	ssyncadd.s32 @!p0 s1  }
0x6d: {  	[bflag:$0x3] =	sbarrier.arrive $0xFFFF  }
0x6e: {  	_ =	shalt  }

// kernel: kernel.14.cloned.1.call-start
scs
__scs_entry_jumppad:
0x0: {  	(pc) =	sbr.rel $0x88, $3  }
0x1: {  	(tag) =	ssettag $0x0;
	lr =	simm.s32 $0x1  }
0x2: {  	[smem:$0x3F9B] =	sst lr;
	_ =	strace $0xD0000000  }
0x3: {  	_ = 	snop  }
0x4: {  	_ = 	snop  }
0x5: {  	_ = 	snop  }
0x6: {  	_ = 	snop  }
0x7: {  	_ = 	snop  }
__scs_overlays_trampoline_lowered:
0x8: {  	[smem:$0x3FAA] =	sst s0  }
0x9: {  	[smem:$0x3FAB] =	sst s1  }
0xa: {  	[smem:$0x3FAC] =	sst s2  }
0xb: {  	[smem:$0x3FAD] =	sst s3  }
0xc: {  	[smem:$0x3FAE] =	sst s4  }
0xd: {  	[smem:$0x3FAF] =	sst s5  }
0xe: {  	[smem:$0x3FB0] =	sst s6  }
0xf: {  	[smem:$0x3FB1] =	sst s7  }
0x10: {  	[smem:$0x3FB2] =	sst s8  }
0x11: {  	[smem:$0x3FB3] =	sst s9;
	s0 =	simm.s32 @!p0 $0x0  }
0x12: {  	s1 =	sld [smem:$0x3F99];
	s0 =	simm.s32 @p0 $0x1  }
0x13: {  	[smem:$0x3FB4] =	sst s0;
	s0 =	simm.s32 @!p1 $0x0  }
0x14: {  	s2 =	sld [smem:$0x3F98];
	s0 =	simm.s32 @p1 $0x1  }
0x15: {  	[smem:$0x3FB5] =	sst s0;
	s0 =	simm.s32 @!p2 $0x0  }
0x16: {  	s3 =	sld [smem:$0x3FDB];
	s0 =	simm.s32 @p2 $0x1  }
0x17: {  	s4 =	simm.s32 $0x1BF5;
	[smem:$0x3FB7] =	sst s0  }
0x18: {  	s0 =	sld [smem:$0x3F9A];
	_ =	swait.ge [sflag:s4], $0x0  }
0x19: {  	s7 =	sld [smem:$0x3F9B]  }
0x1a: {  	s8 =	sadd.s32 $0xFFFFE003, lr  }
0x1b: {  	s9 =	sadd.s32 $0xFFFFFEF7, lr;
	s5 =	simm.s32 $0xFFFFFFFF;
	p2 =	slt.u32 s8, $0xFFFFF086  }
0x1c: {  	p1 =	slt.u32 s9, $0xF7A;
	s5 =	simm.s32 @!p2 $0x0  }
0x1d: {  	s5 =	simm.s32 @p1 $0x1;
	p0 =	seq.s32 s7, s2  }
0x1e: {  	s7 =	smul.u32 @!p0 $0xF7A, s2;
	p2 =	seq.s32 @!p0 s5, $0x0  }
0x1f: {  	s9 =	smul.u32 $0xF7A, s1;
	s8 =	simm.s32 @!p0 $0x1BF5;
	p2 =	por !p2, p0  }
0x20: {  	[sflag:s8] =	ssyncset.s32 @!p0 $0xFFFFF086;
	s6 =	sadd.s32 @!p0 s3, s7;
	s7 =	simm.s32 @!p0 $0x108  }
0x21: {  	s3 =	sadd.s32 s3, s9;
	s6 =	sadd.s32 @!p0 $0x88, s6;
	s7 =	simm.s32 @p2 $0x1082  }
0x22: {  	[simem:s7], [sflag:s8] =	dma.local @!p0 [hbm:s6], $0xF7A  }
0x23: {  	s9 =	sor.u32 $0xD0000000, s2;
	s6 =	simm.s32 $0x108;
	_ =	swait.ge @!p0 [sflag:s8], $0x0  }
0x24: {  	s3 =	sadd.s32 $0x88, s3;
	s6 =	simm.s32 @!p1 $0x1082;
	[sflag:s4] =	ssyncset.s32 $0xFFFFF086  }
0x25: {  	[simem:s6], [sflag:s4] =	dma.local [hbm:s3], $0xF7A  }
0x26: {  	[smem:$0x3F9B] =	sst s1;
	(tag) =	ssettag s2;
	_ =	strace s9  }
0x27: {  	s1 =	sld [smem:$0x3FAB]  }
0x28: {  	s2 =	sld [smem:$0x3FAC]  }
0x29: {  	s4 =	sld [smem:$0x3FAE]  }
0x2a: {  	p0 =	seq.s32 s5, $0x0;
	s5 =	sld [smem:$0x3FAF]  }
0x2b: {  	s6 =	sld [smem:$0x3FB0]  }
0x2c: {  	s7 =	sld [smem:$0x3FB1]  }
0x2d: {  	s3 =	simm.s32 $0x108;
	s8 =	sld [smem:$0x3FB2]  }
0x2e: {  	s3 =	simm.s32 @!p0 $0x1082;
	s9 =	sld [smem:$0x3FB3]  }
0x2f: {  	lr =	sadd.s32 s0, s3;
	s0 =	sld [smem:$0x3FAA]  }
0x30: {  	s3 =	sld [smem:$0x3FAD]  }
0x31: {  	[smem:$0x3FB6] =	sst s10  }
0x32: {  	s10 =	sld [smem:$0x3FB4];
	_ =	sdelay $0x3  }
0x33: {  	p0 =	seq.s32 s10, $0x1;
	s10 =	sld [smem:$0x3FB6];
	_ =	sdelay $0x3  }
0x34: {  	[smem:$0x3FB6] =	sst s10  }
0x35: {  	s10 =	sld [smem:$0x3FB5];
	_ =	sdelay $0x3  }
0x36: {  	p1 =	seq.s32 s10, $0x1;
	s10 =	sld [smem:$0x3FB6];
	_ =	sdelay $0x3  }
0x37: {  	[smem:$0x3FB6] =	sst s10  }
0x38: {  	s10 =	sld [smem:$0x3FB7]  }
0x39: {  	_ = 	snop;
	(pc) =	sbr.ind lr, $3  }
0x3a: {  	_ = 	snop  }
0x3b: {  	_ = 	snop  }
0x3c: {  	p2 =	seq.s32 s10, $0x1;
	s10 =	sld [smem:$0x3FB6]  }
0x3d: {  	_ =	shalt  }
0x3e: {  	_ =	shalt  }
0x3f: {  	_ =	shalt  }
0x40: {  	_ =	shalt  }
0x41: {  	_ =	shalt  }
0x42: {  	_ =	shalt  }
0x43: {  	_ =	shalt  }
0x44: {  	_ =	shalt  }
0x45: {  	_ =	shalt  }
0x46: {  	_ =	shalt  }
0x47: {  	_ =	shalt  }
0x48: {  	_ =	shalt  }
0x49: {  	_ =	shalt  }
0x4a: {  	_ =	shalt  }
0x4b: {  	_ =	shalt  }
0x4c: {  	_ =	shalt  }
0x4d: {  	_ =	shalt  }
0x4e: {  	_ =	shalt  }
0x4f: {  	_ =	shalt  }
0x50: {  	_ =	shalt  }
0x51: {  	_ =	shalt  }
0x52: {  	_ =	shalt  }
0x53: {  	_ =	shalt  }
0x54: {  	_ =	shalt  }
0x55: {  	_ =	shalt  }
0x56: {  	_ =	shalt  }
0x57: {  	_ =	shalt  }
0x58: {  	_ =	shalt  }
0x59: {  	_ =	shalt  }
0x5a: {  	_ =	shalt  }
0x5b: {  	_ =	shalt  }
0x5c: {  	_ =	shalt  }
0x5d: {  	_ =	shalt  }
0x5e: {  	_ =	shalt  }
0x5f: {  	_ =	shalt  }
0x60: {  	_ =	shalt  }
0x61: {  	_ =	shalt  }
0x62: {  	_ =	shalt  }
0x63: {  	_ =	shalt  }
0x64: {  	_ =	shalt  }
0x65: {  	_ =	shalt  }
0x66: {  	_ =	shalt  }
0x67: {  	_ =	shalt  }
0x68: {  	_ =	shalt  }
0x69: {  	_ =	shalt  }
0x6a: {  	_ =	shalt  }
0x6b: {  	_ =	shalt  }
0x6c: {  	_ =	shalt  }
0x6d: {  	_ =	shalt  }
0x6e: {  	_ =	shalt  }
0x6f: {  	_ =	shalt  }
0x70: {  	_ =	shalt  }
0x71: {  	_ =	shalt  }
0x72: {  	_ =	shalt  }
0x73: {  	_ =	shalt  }
0x74: {  	_ =	shalt  }
0x75: {  	_ =	shalt  }
0x76: {  	_ =	shalt  }
0x77: {  	_ =	shalt  }
0x78: {  	_ =	shalt  }
0x79: {  	_ =	shalt  }
0x7a: {  	_ =	shalt  }
0x7b: {  	_ =	shalt  }
0x7c: {  	_ =	shalt  }
0x7d: {  	_ =	shalt  }
0x7e: {  	_ =	shalt  }
0x7f: {  	_ =	shalt  }
0x80: {  	_ =	shalt  }
0x81: {  	_ =	shalt  }
0x82: {  	_ =	shalt  }
0x83: {  	_ =	shalt  }
0x84: {  	_ =	shalt  }
0x85: {  	_ =	shalt  }
0x86: {  	_ =	shalt  }
0x87: {  	_ =	shalt  }
.Lfunc_end0:
.L_simem_size_0:
called_computation.2_lowered:
.L_overlay_start_0:
0x88: {  	s2 =	sld [smem:$0x3FD9]  }
0x89: {  	s3 =	sld [smem:$0x3FFE];
	_ =	sdelay $0x1  }
0x8a: {  	s1 =	srdreg.scid  }
0x8b: {  	s0 =	sand.u32 $0x1, s1  }
0x8c: {  	s17 =	sshll.u32 s0, $0xA;
	s2 =	sadd.s32 s3, s2  }
0x8d: {  	s2 =	sadd.s32 s2, s17  }
0x8e: {  	[smem:$0x3FC2] =	sst s2  }
0x8f: {  	_ = 	snop  }
0x90: {  	s2 =	sld [smem:$0x3FD0];
	(tm) =	ssettm $0x1  }
0x91: {  	s18 =	sld [smem:$0x3FFB];
	_ =	sdelay $0x3  }
0x92: {  	_ =	strace s18  }
0x93: {  	s3 =	sld [smem:$0x3FFC];
	_ =	sdelay $0x3  }
0x94: {  	_ =	strace s3  }
0x95: {  	s3 =	sld [smem:$0x3FFD];
	_ =	sdelay $0x3  }
0x96: {  	_ =	strace s3  }
0x97: {  	_ =	strace $0x8FFFFFFF  }
0x98: {  	s19 =	sld [smem:$0x3FDB];
	_ =	sdelay $0x1  }
0x99: {  	s4 =	simm.s32 $_scs_section_size  }
0x9a: {  	s5 =	simm.s32 $_size__tile_overlayer_lowered;
	s6 =	simm.s32 $_tile_overlayer_lowered  }
0x9b: {  	s22 =	simm.s32 $0x1BFF;
	s21 =	sshll.u32 s6, $0x1;
	s3 =	sadd.s32 s4, s19  }
0x9c: {  	s7 =	simm.s32 $0x0;
	s20 =	sshll.u32 s5, $0x1;
	s5 =	sadd.s32 s21, s3  }
0x9d: {  	[timem:s7], [sflag:s22] =	dma.local [hbm:s5], s20  }
0x9e: {  	_ =	swait.ge [sflag:s22], s20  }
0x9f: {  	s4 =	ssub.s32 $0x0, s20;
	[sflag:s22] =	ssyncset.done $0x0  }
0xa0: {  	[sflag:s22] =	ssyncadd.s32 s4;
	_ =	sdelay $0x1  }
0xa1: {  	s23 =	simm.s32 $0x1B8B  }
0xa2: {  	_ =	swait.ge [sflag:s23], $0x1  }
0xa3: {  	[sflag:s23] =	ssyncset.done $0x0  }
0xa4: {  	s25 =	simm.s32 $0x1B8E;
	s24 =	sld [smem:$0x3FFE];
	[sflag:s23] =	ssyncadd.s32 $0xFFFFFFFF  }
0xa5: {  	s26 =	simm.s32 $execute0_lowered;
	[smem:$0x3FD2] =	sst s25  }
0xa6: {  	s5 =	sshll.u32 s26, $0x1;
	_ =	strace $0x8000004C;
	[dreg:$0x1] =	wrdreg $0xFFFFFFFF  }
0xa7: {  	s28 =	simm.s32 $_size_execute0_lowered;
	s3 =	sadd.s32 s3, s5;
	[dreg:$0x0] =	wrdreg $0x0  }
0xa8: {  	s5 =	sshll.u32 s28, $0x1;
	[dreg:$0x2] =	wrdreg s3  }
0xa9: {  	[dreg:$0x3] =	wrdreg s5  }
0xaa: {  	[dreg:$0x4] =	wrdreg $0xC0  }
0xab: {  	_ =	task [dreg:s7], $0x5FFFF  }
0xac: {  	[dreg:$0x1] =	wrdreg $0xFFFFFFFF  }
0xad: {  	[dreg:$0x0] =	wrdreg $0x60  }
0xae: {  	[dreg:$0x2] =	wrdreg s2  }
0xaf: {  	[dreg:$0x3] =	wrdreg s24  }
0xb0: {  	[dreg:$0x4] =	wrdreg $0xB7800  }
0xb1: {  	[dreg:$0x5] =	wrdreg $0x9  }
0xb2: {  	_ =	task.clear_ibuf [dreg:s7], $0x6FFFF;
	_ =	strace $0x9000004C  }
0xb3: {  	s29 =	simm.s32 $0x9;
	_ =	strace $0x8000004E  }
0xb4: {  	_ =	swait.ge [sflag:s29], $0x1  }
0xb5: {  	[sflag:s29] =	ssyncadd.s32 $0xFFFFFFFF  }
0xb6: {  	_ =	strace $0x9000004E  }
0xb7: {  	_ =	sfence  }
0xb8: {  	s30 =	sld [smem:$0x0];
	_ =	sdelay $0x2  }
0xb9: {  	s31 =	sshll.u32 s1, $0xD;
	s1 =	sshrl.u32 s1, $0x2  }
0xba: {  	s3 =	sand.u32 $0x4000, s31;
	s1 =	sadd.s32 s1, s30  }
0xbb: {  	s0 =	sor.u32 s3, s0;
	s1 =	sshll.u32 s1, $0x11  }
0xbc: {  	s0 =	sor.u32 s1, s0  }
0xbd: {  	s0 =	sadd.s32 $0x8F2B, s0  }
0xbe: {  	[sflag:s0] =	ssyncadd.remote.s32 $0x1  }
0xbf: {  	_ =	sfence.sel $0xFFFF  }
0xc0: {  	[dreg:$0x0] =	wrdreg $0xFFFFFFFF;
	(pc) =	sbr.abs _section_cstart, $3  }
0xc1: {  	[dreg:$0x1] =	wrdreg $0xFFFFFFFF  }
0xc2: {  	_ =	task.clear_ibuf [dreg:s7], $0x2FFFF;
	_ =	strace $0x9FFFFFFF  }
0xc3: {  	(tm) =	ssettm $0x7FFFFFFF  }
tec
execute0_lowered:
.L_overlay_start_1:
0x0: {  	(tag) =	ssettag $0x1  }
0x1: {  	s2 =	srdreg.scid;
	s1 =	rddreg [dreg:$0x0]  }
0x2: {  	s0 =	stileid.u32;
	s6 =	rddreg [dreg:$0x1]  }
0x3: {  	s3 =	rddreg [dreg:$0x2];
	s14 =	simm.s32 $0x2780;
	s15 =	simm.s32 $0x1  }
0x4: {  	s16 =	simm.s32 $0x50;
	s17 =	simm.s32 $0x6780;
	s18 =	simm.s32 $0x2  }
0x5: {  	s19 =	simm.s32 $0x3;
	s20 =	simm.s32 $0x8F80;
	s21 =	simm.s32 $0x4  }
0x6: {  	s22 =	simm.s32 $0x6580;
	s5 =	sand.u32 $0x1, s2;
	s26 =	smul.u32 $0x13C00, s0  }
0x7: {  	s24 =	sshll.u32 s0, $0x1;
	s25 =	sshrl.u32 s0, $0x2;
	s29 =	smul.u32 $0x4F000, s0  }
0x8: {  	s2 =	rddreg [dreg:$0x3];
	s23 =	sshll.u32 s0, $0x6;
	s8 =	smul.u32 $0x13C00, s25  }
0x9: {  	s7 =	sor.u32 s5, s24;
	s10 =	smul.u32 $0x13C000, s5;
	s5 =	ssub.s32 $0x2, s5  }
0xa: {  	s24 =	simm.s32 $0x0;
	s4 =	sshll.u32 s7, $0x7;
	s7 =	sshll.u32 s7, $0xB  }
0xb: {  	s28 =	sshrl.u32 s26, $0x3;
	s30 =	sshrl.u32 s5, $0x1;
	s31 =	sshrl.u32 s29, $0x2  }
0xc: {  	s9 =	sand.u32 $0x380, s4;
	s4 =	simm.s32 $0x0;
	s11 =	sadd.s32 s7, s6  }
0xd: {  	s7 =	sadd.s32 s28, s6;
	s12 =	ssub.s32 s5, s30;
	s13 =	sadd.s32 s31, s3  }
0xe: {  	s8 =	sor.u32 s8, s9;
	[smem:$0x7FF] =	sst s4;
	s9 =	sadd.s32 s26, s10  }
0xf: {  	s5 =	sadd.s32 $0x12600, s7;
	s10 =	smax.u32 s12, $0x1;
	s12 =	simm.s32 $0x80  }
0x10: {  	s8 =	sshrl.u32 s8, $0x3;
	_ =	strace $0x8000004D;
	s9 =	sshrl.u32 s9, $0x3  }
0x11: {  	s8 =	sadd.s32 s8, s6;
	s9 =	sadd.s32 s9, s6;
	s6 =	sor.u32 $0x1C03, s23  }
0x12: {  	s23 =	sor.u32 $0x1C04, s23;
	s7 =	sadd.s32 $0x88E00, s8;
	s8 =	sadd.s32 $0x2600, s11  }
0x13: {  	s9 =	sadd.s32 $0x39E00, s9;
	s11 =	sshrl.u32 s13, $0x3;
	s13 =	simm.s32 $0x400  }
.LBB2_1:
0x14: {  	[spmem:s11], [sflag:s6] =	dma.local [hbm:s5], $0x2780  }
0x15: {  	[tilespmem:s4], [sflag:$0x1] =	stream.strided.gather [hbm4b:s7+s12], $0x2780, s13, s12, $0x38;
	[tilespmem:$0x1F380] =	vst v63  }
0x16: {  	_ = 	snop  }
0x17: {  	[tilespmem:s14], [sflag:$0x2] =	stream.linear.gather [hbm4b:s8+s4], $0x3E80, $0x38;
	[tilespmem:$0x1F380] =	vst v63  }
0x18: {  	_ =	swait.ge [sflag:s15], $0x2780  }
0x19: {  	[sflag:s15] =	ssyncset.done $0x0  }
0x1a: {  	[sflag:s15] =	ssyncadd.s32 $0xFFFFD880  }
0x1b: {  	[tilespmem:s17], [sflag:$0x1] =	stream.indirect.gather [hbm4b:s1+s16], $0x80, s4, s16, $0xb8;
	[tilespmem:$0x1F380] =	vst v63  }
0x1c: {  	_ =	swait.ge [sflag:s18], $0x3E80  }
0x1d: {  	[sflag:s18] =	ssyncset.done $0x0  }
0x1e: {  	[sflag:s18] =	ssyncadd.s32 $0xFFFFC180  }
0x1f: {  	_ =	swait.ge [sflag:s19], $0x2780  }
0x20: {  	[sflag:s19] =	ssyncset.done $0x0  }
0x21: {  	[sflag:s19] =	ssyncadd.s32 $0xFFFFD880  }
0x22: {  	s25 =	simm.s32 $0x50;
	[bflag:$0x0] =	sbarrier.arrive $0xFFFF  }
0x23: {  	[tilespmem:s20], [sflag:$0x2] =	stream.indirect.gather [hbm4b:s1+s16], $0x80, s25, s16, $0xb8;
	[tilespmem:$0x1F380] =	vst v63  }
0x24: {  	_ =	swait.ge [sflag:s15], $0x2800  }
0x25: {  	[sflag:s15] =	ssyncset.done $0x0  }
0x26: {  	s29 =	simm.s32 $0x2780;
	[sflag:s15] =	ssyncadd.s32 $0xFFFFD800  }
0x27: {  	[spmem:s3] =	stream.indirect.scatter.add.f32 [tilespmem:s17], [sflag:$0x4], $0x80, s29, s16, $0xb8;
	[tilespmem:$0x1F380] =	vst v63  }
0x28: {  	_ =	swait.ge [sflag:s21], $0x2800  }
0x29: {  	[sflag:s21] =	ssyncset.done $0x0  }
0x2a: {  	s30 =	simm.s32 $0xA0;
	[sflag:s21] =	ssyncadd.s32 $0xFFFFD800  }
0x2b: {  	[tilespmem:s17], [sflag:$0x1] =	stream.indirect.gather [hbm4b:s1+s16], $0x80, s30, s16, $0xb8;
	[tilespmem:$0x1F380] =	vst v63  }
0x2c: {  	_ =	swait.ge [sflag:s18], $0x2800  }
0x2d: {  	[sflag:s18] =	ssyncset.done $0x0  }
0x2e: {  	s31 =	simm.s32 $0x2800;
	[sflag:s18] =	ssyncadd.s32 $0xFFFFD800  }
0x2f: {  	[spmem:s3] =	stream.indirect.scatter.add.f32 [tilespmem:s20], [sflag:$0x4], $0x80, s31, s16, $0xb8;
	[tilespmem:$0x1F380] =	vst v63  }
0x30: {  	s26 =	simm.s32 $0x400;
	_ =	swait.ge [sflag:s21], $0x2800  }
0x31: {  	s28 =	simm.s32 $0x800;
	s25 =	simm.s32 $0x140;
	[sflag:s21] =	ssyncset.done $0x0  }
.LBB2_2:
0x32: {  	p0 =	sne.s32 s28, $0xF400;
	s29 =	sadd.s32 $0xFFFFFFB0, s25;
	[sflag:s21] =	ssyncadd.s32 $0xFFFFD800  }
0x33: {  	[tilespmem:s20], [sflag:$0x2] =	stream.indirect.gather [hbm4b:s1+s16], $0x80, s29, s16, $0xb8;
	[tilespmem:$0x1F380] =	vst v63  }
0x34: {  	s29 =	smov.u32 s28;
	s28 =	sadd.s32 $0x400, s28;
	_ =	swait.ge [sflag:s15], $0x2800  }
0x35: {  	s30 =	sshra.s32 s26, $0x2;
	s26 =	smov.u32 s29;
	[sflag:s15] =	ssyncset.done $0x0  }
0x36: {  	s29 =	sadd.s32 $0x2780, s30;
	[sflag:s15] =	ssyncadd.s32 $0xFFFFD800  }
0x37: {  	[spmem:s3] =	stream.indirect.scatter.add.f32 [tilespmem:s17], [sflag:$0x4], $0x80, s29, s16, $0xb8;
	[tilespmem:$0x1F380] =	vst v63  }
0x38: {  	_ =	swait.ge [sflag:s21], $0x2800  }
0x39: {  	[sflag:s21] =	ssyncset.done $0x0  }
0x3a: {  	[sflag:s21] =	ssyncadd.s32 $0xFFFFD800  }
0x3b: {  	[tilespmem:s17], [sflag:$0x1] =	stream.indirect.gather [hbm4b:s1+s16], $0x80, s25, s16, $0xb8;
	[tilespmem:$0x1F380] =	vst v63  }
0x3c: {  	_ =	swait.ge [sflag:s18], $0x2800  }
.Ltmp0:
0x3d: {  	[sflag:s18] =	ssyncset.done $0x0;
	(pc) =	sbr.rel @p0 .LBB2_2-.Ltmp0, $4  }
0x3e: {  	s29 =	sadd.s32 $0x2800, s30;
	[sflag:s18] =	ssyncadd.s32 $0xFFFFD800  }
0x3f: {  	[spmem:s3] =	stream.indirect.scatter.add.f32 [tilespmem:s20], [sflag:$0x4], $0x80, s29, s16, $0xb8;
	[tilespmem:$0x1F380] =	vst v63  }
0x40: {  	_ =	swait.ge [sflag:s21], $0x2800  }
0x41: {  	s25 =	sadd.s32 $0xA0, s25;
	[sflag:s21] =	ssyncset.done $0x0  }
0x42: {  	s28 =	sadd.s32 $0xFFFFFFB0, s25;
	[sflag:s21] =	ssyncadd.s32 $0xFFFFD800  }
0x43: {  	[tilespmem:s20], [sflag:$0x2] =	stream.indirect.gather [hbm4b:s1+s16], $0x80, s28, s16, $0xb8;
	[tilespmem:$0x1F380] =	vst v63  }
0x44: {  	_ =	swait.ge [sflag:s15], $0x2800  }
0x45: {  	s26 =	sshra.s32 s26, $0x2;
	[sflag:s15] =	ssyncset.done $0x0  }
0x46: {  	s30 =	sadd.s32 $0x2780, s26;
	[sflag:s15] =	ssyncadd.s32 $0xFFFFD800  }
0x47: {  	[spmem:s3] =	stream.indirect.scatter.add.f32 [tilespmem:s17], [sflag:$0x4], $0x80, s30, s16, $0xb8;
	[tilespmem:$0x1F380] =	vst v63  }
0x48: {  	_ =	swait.ge [sflag:s21], $0x2800  }
0x49: {  	[sflag:s21] =	ssyncset.done $0x0  }
0x4a: {  	[sflag:s21] =	ssyncadd.s32 $0xFFFFD800  }
0x4b: {  	[tilespmem:s17], [sflag:$0x1] =	stream.indirect.gather [hbm4b:s1+s16], $0x80, s25, s16, $0xb8;
	[tilespmem:$0x1F380] =	vst v63  }
0x4c: {  	_ =	swait.ge [sflag:s18], $0x2800  }
0x4d: {  	[sflag:s18] =	ssyncset.done $0x0  }
0x4e: {  	s31 =	sadd.s32 $0x2800, s26;
	[sflag:s18] =	ssyncadd.s32 $0xFFFFD800  }
0x4f: {  	[spmem:s3] =	stream.indirect.scatter.add.f32 [tilespmem:s20], [sflag:$0x4], $0x80, s31, s16, $0xb8;
	[tilespmem:$0x1F380] =	vst v63  }
0x50: {  	_ =	swait.ge [sflag:s21], $0x2800  }
0x51: {  	[sflag:s21] =	ssyncset.done $0x0  }
0x52: {  	[sflag:s21] =	ssyncadd.s32 $0xFFFFD800  }
0x53: {  	_ =	swait.ge [sflag:s15], $0x2800  }
0x54: {  	[sflag:s15] =	ssyncset.done $0x0  }
0x55: {  	[sflag:s15] =	ssyncadd.s32 $0xFFFFD800  }
0x56: {  	[spmem:s3] =	stream.indirect.scatter.add.f32 [tilespmem:s17], [sflag:$0x4], $0x80, s22, s16, $0xb8;
	[tilespmem:$0x1F380] =	vst v63  }
0x57: {  	_ =	swait.ge [sflag:s21], $0x2800  }
0x58: {  	s24 =	sadd.s32 $0x1, s24;
	[sflag:s21] =	ssyncset.done $0x0  }
0x59: {  	p0 =	sne.s32 s24, s10;
	[sflag:s21] =	ssyncadd.s32 $0xFFFFD800  }
.Ltmp1:
0x5a: {  	[bflag:$0x0] =	sbarrier.arrive $0xFFFF;
	(pc) =	sbr.rel @p0 .LBB2_1-.Ltmp1, $4  }
0x5b: {  	[hbm:s9], [sflag:s23] =	dma.local [spmem:s11], $0x2780  }
0x5c: {  	_ =	swait.ge [sflag:s21], $0x2780  }
0x5d: {  	[sflag:s21] =	ssyncset.done $0x0  }
0x5e: {  	[sflag:s21] =	ssyncadd.s32 $0xFFFFD880  }
0x5f: {  	_ =	sfence.sel $0x180000  }
0x60: {  	[bflag:$0x0] =	sbarrier.arrive $0xFFFF  }
0x61: {  	p0 =	sne.s32 s0, $0x0;
	_ =	strace $0x9000004D  }
0x62: {  	s0 =	sadd.s32 @!p0 $0x100000, s2;
	[bflag:$0x2] =	sbarrier.arrive $0xFFFF  }
0x63: {  	[sflag:s0] =	ssyncadd.tile.s32 @!p0 $0x1;
	_ =	shalt  }
.Lfunc_end2:
_tile_overlayer_lowered:
.L_overlay_start_2:
0x64: {  	(tag) =	ssettag $0x2  }
0x65: {  	s0 =	rddreg [dreg:$0x0];
	s2 =	stileid.u32  }
0x66: {  	s1 =	rddreg [dreg:$0x1];
	p0 =	sne.s32 s2, $0x0  }
0x67: {  	s3 =	rddreg [dreg:$0x2];
	[bflag:$0x3] =	sbarrier.arrive $0xFFFF;
	s2 =	simm.s32 @!p0 $0x1C04  }
0x68: {  	[timem:s3], [sflag:s2] =	dma.local @!p0 [hbm:s0], s1  }
0x69: {  	s0 =	simm.s32 @!p0 $0x4  }
0x6a: {  	_ =	swait.ge @!p0 [sflag:s0], s1  }
0x6b: {  	s1 =	ssub.s32 @!p0 $0x0, s1;
	[sflag:s0] =	ssyncset.done @!p0 $0x0  }
0x6c: {  	[sflag:s0] =	ssyncadd.s32 @!p0 s1  }
0x6d: {  	[bflag:$0x3] =	sbarrier.arrive $0xFFFF  }
0x6e: {  	_ =	shalt  }

// kernel: kernel.8.cloned.1.call-start
scs
__scs_entry_jumppad:
0x0: {  	(pc) =	sbr.rel $0x88, $3  }
0x1: {  	(tag) =	ssettag $0x0;
	lr =	simm.s32 $0x1  }
0x2: {  	[smem:$0x3F9B] =	sst lr;
	_ =	strace $0xD0000000  }
0x3: {  	_ = 	snop  }
0x4: {  	_ = 	snop  }
0x5: {  	_ = 	snop  }
0x6: {  	_ = 	snop  }
0x7: {  	_ = 	snop  }
__scs_overlays_trampoline_lowered:
0x8: {  	[smem:$0x3FAA] =	sst s0  }
0x9: {  	[smem:$0x3FAB] =	sst s1  }
0xa: {  	[smem:$0x3FAC] =	sst s2  }
0xb: {  	[smem:$0x3FAD] =	sst s3  }
0xc: {  	[smem:$0x3FAE] =	sst s4  }
0xd: {  	[smem:$0x3FAF] =	sst s5  }
0xe: {  	[smem:$0x3FB0] =	sst s6  }
0xf: {  	[smem:$0x3FB1] =	sst s7  }
0x10: {  	[smem:$0x3FB2] =	sst s8  }
0x11: {  	[smem:$0x3FB3] =	sst s9;
	s0 =	simm.s32 @!p0 $0x0  }
0x12: {  	s1 =	sld [smem:$0x3F99];
	s0 =	simm.s32 @p0 $0x1  }
0x13: {  	[smem:$0x3FB4] =	sst s0;
	s0 =	simm.s32 @!p1 $0x0  }
0x14: {  	s2 =	sld [smem:$0x3F98];
	s0 =	simm.s32 @p1 $0x1  }
0x15: {  	[smem:$0x3FB5] =	sst s0;
	s0 =	simm.s32 @!p2 $0x0  }
0x16: {  	s3 =	sld [smem:$0x3FDB];
	s0 =	simm.s32 @p2 $0x1  }
0x17: {  	s4 =	simm.s32 $0x1BF5;
	[smem:$0x3FB7] =	sst s0  }
0x18: {  	s0 =	sld [smem:$0x3F9A];
	_ =	swait.ge [sflag:s4], $0x0  }
0x19: {  	s7 =	sld [smem:$0x3F9B]  }
0x1a: {  	s8 =	sadd.s32 $0xFFFFE003, lr  }
0x1b: {  	s9 =	sadd.s32 $0xFFFFFEF7, lr;
	s5 =	simm.s32 $0xFFFFFFFF;
	p2 =	slt.u32 s8, $0xFFFFF086  }
0x1c: {  	p1 =	slt.u32 s9, $0xF7A;
	s5 =	simm.s32 @!p2 $0x0  }
0x1d: {  	s5 =	simm.s32 @p1 $0x1;
	p0 =	seq.s32 s7, s2  }
0x1e: {  	s7 =	smul.u32 @!p0 $0xF7A, s2;
	p2 =	seq.s32 @!p0 s5, $0x0  }
0x1f: {  	s9 =	smul.u32 $0xF7A, s1;
	s8 =	simm.s32 @!p0 $0x1BF5;
	p2 =	por !p2, p0  }
0x20: {  	[sflag:s8] =	ssyncset.s32 @!p0 $0xFFFFF086;
	s6 =	sadd.s32 @!p0 s3, s7;
	s7 =	simm.s32 @!p0 $0x108  }
0x21: {  	s3 =	sadd.s32 s3, s9;
	s6 =	sadd.s32 @!p0 $0x88, s6;
	s7 =	simm.s32 @p2 $0x1082  }
0x22: {  	[simem:s7], [sflag:s8] =	dma.local @!p0 [hbm:s6], $0xF7A  }
0x23: {  	s9 =	sor.u32 $0xD0000000, s2;
	s6 =	simm.s32 $0x108;
	_ =	swait.ge @!p0 [sflag:s8], $0x0  }
0x24: {  	s3 =	sadd.s32 $0x88, s3;
	s6 =	simm.s32 @!p1 $0x1082;
	[sflag:s4] =	ssyncset.s32 $0xFFFFF086  }
0x25: {  	[simem:s6], [sflag:s4] =	dma.local [hbm:s3], $0xF7A  }
0x26: {  	[smem:$0x3F9B] =	sst s1;
	(tag) =	ssettag s2;
	_ =	strace s9  }
0x27: {  	s1 =	sld [smem:$0x3FAB]  }
0x28: {  	s2 =	sld [smem:$0x3FAC]  }
0x29: {  	s4 =	sld [smem:$0x3FAE]  }
0x2a: {  	p0 =	seq.s32 s5, $0x0;
	s5 =	sld [smem:$0x3FAF]  }
0x2b: {  	s6 =	sld [smem:$0x3FB0]  }
0x2c: {  	s7 =	sld [smem:$0x3FB1]  }
0x2d: {  	s3 =	simm.s32 $0x108;
	s8 =	sld [smem:$0x3FB2]  }
0x2e: {  	s3 =	simm.s32 @!p0 $0x1082;
	s9 =	sld [smem:$0x3FB3]  }
0x2f: {  	lr =	sadd.s32 s0, s3;
	s0 =	sld [smem:$0x3FAA]  }
0x30: {  	s3 =	sld [smem:$0x3FAD]  }
0x31: {  	[smem:$0x3FB6] =	sst s10  }
0x32: {  	s10 =	sld [smem:$0x3FB4];
	_ =	sdelay $0x3  }
0x33: {  	p0 =	seq.s32 s10, $0x1;
	s10 =	sld [smem:$0x3FB6];
	_ =	sdelay $0x3  }
0x34: {  	[smem:$0x3FB6] =	sst s10  }
0x35: {  	s10 =	sld [smem:$0x3FB5];
	_ =	sdelay $0x3  }
0x36: {  	p1 =	seq.s32 s10, $0x1;
	s10 =	sld [smem:$0x3FB6];
	_ =	sdelay $0x3  }
0x37: {  	[smem:$0x3FB6] =	sst s10  }
0x38: {  	s10 =	sld [smem:$0x3FB7]  }
0x39: {  	_ = 	snop;
	(pc) =	sbr.ind lr, $3  }
0x3a: {  	_ = 	snop  }
0x3b: {  	_ = 	snop  }
0x3c: {  	p2 =	seq.s32 s10, $0x1;
	s10 =	sld [smem:$0x3FB6]  }
0x3d: {  	_ =	shalt  }
0x3e: {  	_ =	shalt  }
0x3f: {  	_ =	shalt  }
0x40: {  	_ =	shalt  }
0x41: {  	_ =	shalt  }
0x42: {  	_ =	shalt  }
0x43: {  	_ =	shalt  }
0x44: {  	_ =	shalt  }
0x45: {  	_ =	shalt  }
0x46: {  	_ =	shalt  }
0x47: {  	_ =	shalt  }
0x48: {  	_ =	shalt  }
0x49: {  	_ =	shalt  }
0x4a: {  	_ =	shalt  }
0x4b: {  	_ =	shalt  }
0x4c: {  	_ =	shalt  }
0x4d: {  	_ =	shalt  }
0x4e: {  	_ =	shalt  }
0x4f: {  	_ =	shalt  }
0x50: {  	_ =	shalt  }
0x51: {  	_ =	shalt  }
0x52: {  	_ =	shalt  }
0x53: {  	_ =	shalt  }
0x54: {  	_ =	shalt  }
0x55: {  	_ =	shalt  }
0x56: {  	_ =	shalt  }
0x57: {  	_ =	shalt  }
0x58: {  	_ =	shalt  }
0x59: {  	_ =	shalt  }
0x5a: {  	_ =	shalt  }
0x5b: {  	_ =	shalt  }
0x5c: {  	_ =	shalt  }
0x5d: {  	_ =	shalt  }
0x5e: {  	_ =	shalt  }
0x5f: {  	_ =	shalt  }
0x60: {  	_ =	shalt  }
0x61: {  	_ =	shalt  }
0x62: {  	_ =	shalt  }
0x63: {  	_ =	shalt  }
0x64: {  	_ =	shalt  }
0x65: {  	_ =	shalt  }
0x66: {  	_ =	shalt  }
0x67: {  	_ =	shalt  }
0x68: {  	_ =	shalt  }
0x69: {  	_ =	shalt  }
0x6a: {  	_ =	shalt  }
0x6b: {  	_ =	shalt  }
0x6c: {  	_ =	shalt  }
0x6d: {  	_ =	shalt  }
0x6e: {  	_ =	shalt  }
0x6f: {  	_ =	shalt  }
0x70: {  	_ =	shalt  }
0x71: {  	_ =	shalt  }
0x72: {  	_ =	shalt  }
0x73: {  	_ =	shalt  }
0x74: {  	_ =	shalt  }
0x75: {  	_ =	shalt  }
0x76: {  	_ =	shalt  }
0x77: {  	_ =	shalt  }
0x78: {  	_ =	shalt  }
0x79: {  	_ =	shalt  }
0x7a: {  	_ =	shalt  }
0x7b: {  	_ =	shalt  }
0x7c: {  	_ =	shalt  }
0x7d: {  	_ =	shalt  }
0x7e: {  	_ =	shalt  }
0x7f: {  	_ =	shalt  }
0x80: {  	_ =	shalt  }
0x81: {  	_ =	shalt  }
0x82: {  	_ =	shalt  }
0x83: {  	_ =	shalt  }
0x84: {  	_ =	shalt  }
0x85: {  	_ =	shalt  }
0x86: {  	_ =	shalt  }
0x87: {  	_ =	shalt  }
.Lfunc_end0:
.L_simem_size_0:
called_computation_lowered:
.L_overlay_start_0:
0x88: {  	s2 =	sld [smem:$0x3FD9]  }
0x89: {  	s3 =	sld [smem:$0x3FFE];
	_ =	sdelay $0x1  }
0x8a: {  	s1 =	srdreg.scid  }
0x8b: {  	s0 =	sand.u32 $0x1, s1  }
0x8c: {  	s17 =	sshll.u32 s0, $0xA;
	s2 =	sadd.s32 s3, s2  }
0x8d: {  	s2 =	sadd.s32 s2, s17  }
0x8e: {  	[smem:$0x3FC2] =	sst s2  }
0x8f: {  	_ = 	snop  }
0x90: {  	s2 =	sld [smem:$0x3FD0];
	(tm) =	ssettm $0x1  }
0x91: {  	s18 =	sld [smem:$0x3FFB];
	_ =	sdelay $0x3  }
0x92: {  	_ =	strace s18  }
0x93: {  	s3 =	sld [smem:$0x3FFC];
	_ =	sdelay $0x3  }
0x94: {  	_ =	strace s3  }
0x95: {  	s3 =	sld [smem:$0x3FFD];
	_ =	sdelay $0x3  }
0x96: {  	_ =	strace s3  }
0x97: {  	_ =	strace $0x8FFFFFFF  }
0x98: {  	s19 =	sld [smem:$0x3FDB];
	_ =	sdelay $0x1  }
0x99: {  	s4 =	simm.s32 $_scs_section_size  }
0x9a: {  	s5 =	simm.s32 $_size__tile_overlayer_lowered;
	s6 =	simm.s32 $_tile_overlayer_lowered  }
0x9b: {  	s22 =	simm.s32 $0x1BFF;
	s21 =	sshll.u32 s6, $0x1;
	s3 =	sadd.s32 s4, s19  }
0x9c: {  	s7 =	simm.s32 $0x0;
	s20 =	sshll.u32 s5, $0x1;
	s5 =	sadd.s32 s21, s3  }
0x9d: {  	[timem:s7], [sflag:s22] =	dma.local [hbm:s5], s20  }
0x9e: {  	_ =	swait.ge [sflag:s22], s20  }
0x9f: {  	s4 =	ssub.s32 $0x0, s20;
	[sflag:s22] =	ssyncset.done $0x0  }
0xa0: {  	[sflag:s22] =	ssyncadd.s32 s4;
	_ =	sdelay $0x1  }
0xa1: {  	s23 =	simm.s32 $0x1B8B  }
0xa2: {  	_ =	swait.ge [sflag:s23], $0x1  }
0xa3: {  	[sflag:s23] =	ssyncset.done $0x0  }
0xa4: {  	s25 =	simm.s32 $0x1B8E;
	s24 =	sld [smem:$0x3FFE];
	[sflag:s23] =	ssyncadd.s32 $0xFFFFFFFF  }
0xa5: {  	s26 =	simm.s32 $execute0_lowered;
	[smem:$0x3FD2] =	sst s25  }
0xa6: {  	s5 =	sshll.u32 s26, $0x1;
	_ =	strace $0x80000046;
	[dreg:$0x1] =	wrdreg $0xFFFFFFFF  }
0xa7: {  	s28 =	simm.s32 $_size_execute0_lowered;
	s3 =	sadd.s32 s3, s5;
	[dreg:$0x0] =	wrdreg $0x0  }
0xa8: {  	s5 =	sshll.u32 s28, $0x1;
	[dreg:$0x2] =	wrdreg s3  }
0xa9: {  	[dreg:$0x3] =	wrdreg s5  }
0xaa: {  	[dreg:$0x4] =	wrdreg $0xC0  }
0xab: {  	_ =	task [dreg:s7], $0x5FFFF  }
0xac: {  	[dreg:$0x1] =	wrdreg $0xFFFFFFFF  }
0xad: {  	[dreg:$0x0] =	wrdreg $0x60  }
0xae: {  	[dreg:$0x2] =	wrdreg s24  }
0xaf: {  	[dreg:$0x3] =	wrdreg s2  }
0xb0: {  	[dreg:$0x4] =	wrdreg $0x68000  }
0xb1: {  	[dreg:$0x5] =	wrdreg $0x9  }
0xb2: {  	_ =	task.clear_ibuf [dreg:s7], $0x6FFFF;
	_ =	strace $0x90000046  }
0xb3: {  	s29 =	simm.s32 $0x9;
	_ =	strace $0x80000048  }
0xb4: {  	_ =	swait.ge [sflag:s29], $0x1  }
0xb5: {  	[sflag:s29] =	ssyncadd.s32 $0xFFFFFFFF  }
0xb6: {  	_ =	strace $0x90000048  }
0xb7: {  	_ =	sfence  }
0xb8: {  	s30 =	sld [smem:$0x0];
	_ =	sdelay $0x2  }
0xb9: {  	s31 =	sshll.u32 s1, $0xD;
	s1 =	sshrl.u32 s1, $0x2  }
0xba: {  	s3 =	sand.u32 $0x4000, s31;
	s1 =	sadd.s32 s1, s30  }
0xbb: {  	s0 =	sor.u32 s3, s0;
	s1 =	sshll.u32 s1, $0x11  }
0xbc: {  	s0 =	sor.u32 s1, s0  }
0xbd: {  	s0 =	sadd.s32 $0x8F2B, s0  }
0xbe: {  	[sflag:s0] =	ssyncadd.remote.s32 $0x1  }
0xbf: {  	_ =	sfence.sel $0xFFFF  }
0xc0: {  	[dreg:$0x0] =	wrdreg $0xFFFFFFFF;
	(pc) =	sbr.abs _section_cstart, $3  }
0xc1: {  	[dreg:$0x1] =	wrdreg $0xFFFFFFFF  }
0xc2: {  	_ =	task.clear_ibuf [dreg:s7], $0x2FFFF;
	_ =	strace $0x9FFFFFFF  }
0xc3: {  	(tm) =	ssettm $0x7FFFFFFF  }
tec
execute0_lowered:
.L_overlay_start_1:
0x0: {  	(tag) =	ssettag $0x1  }
0x1: {  	s5 =	rddreg [dreg:$0x0]  }
0x2: {  	s2 =	rddreg [dreg:$0x1]  }
0x3: {  	s3 =	rddreg [dreg:$0x2]  }
0x4: {  	s0 =	rddreg [dreg:$0x3]  }
0x5: {  	s6 =	srdreg.scid;
	s1 =	stileid.u32  }
0x6: {  	s4 =	simm.s32 $0x0;
	s14 =	simm.s32 $0x1;
	s15 =	simm.s32 $0x0  }
0x7: {  	s6 =	sand.u32 $0x1, s6;
	s7 =	smul.u32 $0x13C00, s1;
	[smem:$0x7FF] =	sst s4  }
0x8: {  	s28 =	smul.u32 $0x4F000, s1;
	s30 =	sshll.u32 s1, $0x6;
	s31 =	sshll.u32 s1, $0xC  }
0x9: {  	s8 =	sshll.u32 s6, $0xB;
	s9 =	smul.u32 $0x13C000, s6;
	_ =	strace $0x80000047  }
0xa: {  	s6 =	ssub.s32 $0x2, s6;
	s8 =	sadd.s32 s8, s5;
	s10 =	sshrl.u32 s7, $0x3  }
0xb: {  	s11 =	sshrl.u32 s6, $0x1;
	s29 =	sshrl.u32 s28, $0x2;
	s7 =	sadd.s32 s7, s9  }
0xc: {  	s10 =	sadd.s32 s10, s5;
	s11 =	ssub.s32 s6, s11;
	s13 =	sadd.s32 s29, s3  }
0xd: {  	s6 =	sor.u32 $0x1C02, s30;
	s7 =	sshrl.u32 s7, $0x3;
	s9 =	smax.u32 s11, $0x1  }
0xe: {  	s11 =	simm.s32 $0x2;
	s12 =	sadd.s32 s7, s5;
	s5 =	sadd.s32 $0x12600, s10  }
0xf: {  	s7 =	sadd.s32 s31, s8;
	s10 =	sshrl.u32 s13, $0x3;
	s13 =	simm.s32 $0x50  }
0x10: {  	s7 =	sadd.s32 $0x2600, s7;
	s8 =	sadd.s32 $0x39E00, s12;
	s12 =	simm.s32 $0x4000  }
.LBB2_1:
0x11: {  	[spmem:s10], [sflag:s6] =	dma.local [hbm:s5], $0x2780  }
0x12: {  	_ =	swait.ge [sflag:s11], $0x2780  }
0x13: {  	[sflag:s11] =	ssyncset.done $0x0  }
0x14: {  	[sflag:s11] =	ssyncadd.s32 $0xFFFFD880  }
0x15: {  	[tilespmem:s12], [sflag:$0x2] =	stream.linear.gather [hbm4b:s2+s4], $0x2800, $0x38;
	[tilespmem:$0x1A400] =	vst v63  }
0x16: {  	_ =	swait.ge [sflag:s11], $0x2800  }
0x17: {  	[sflag:s11] =	ssyncset.done $0x0  }
0x18: {  	[sflag:s11] =	ssyncadd.s32 $0xFFFFD800  }
0x19: {  	[tilespmem:s4], [sflag:$0x2] =	stream.linear.gather [hbm4b:s7+s4], $0x3E80, $0x38;
	[tilespmem:$0x1A400] =	vst v63  }
0x1a: {  	_ =	swait.ge [sflag:s11], $0x3E80  }
0x1b: {  	[sflag:s11] =	ssyncset.done $0x0  }
0x1c: {  	[sflag:s11] =	ssyncadd.s32 $0xFFFFC180  }
0x1d: {  	s16 =	simm.s32 $0x0;
	[bflag:$0x0] =	sbarrier.arrive $0xFFFF  }
.LBB2_2:
0x1e: {  	p0 =	sne.s32 s16, $0xF800  }
.Ltmp0:
0x1f: {  	_ = 	snop;
	(pc) =	sbr.rel @p0 .LBB2_2-.Ltmp0, $3  }
0x20: {  	_ =	sdelay $0x1  }
0x21: {  	s17 =	sshra.s32 s16, $0x2;
	s16 =	sadd.s32 $0x200, s16  }
0x22: {  	[spmem:s3] =	stream.indirect.scatter.add.f32 [tilespmem:s12], [sflag:$0x1], $0x80, s17, s13, $0xb8;
	[tilespmem:$0x1A400] =	vst v63  }
0x23: {  	_ =	swait.ge [sflag:s14], $0x2800  }
0x24: {  	s16 =	simm.s32 $0x7C;
	[sflag:s14] =	ssyncset.done $0x0  }
.LBB2_4:
0x25: {  	p0 =	sne.s32 s16, $0x1;
	s16 =	sadd.s32 $0xFFFFFFFF, s16;
	[sflag:s14] =	ssyncadd.s32 $0xFFFFD800  }
.Ltmp1:
0x26: {  	(pc) =	sbr.rel @p0 .LBB2_4-.Ltmp1, $3  }
0x27: {  	_ =	sdelay $0x1  }
0x28: {  	_ =	swait.ge [sflag:s14], $0x2800  }
0x29: {  	[sflag:s14] =	ssyncset.done $0x0  }
0x2a: {  	s15 =	sadd.s32 $0x1, s15  }
0x2b: {  	[sflag:s14] =	ssyncadd.s32 $0xFFFFD800;
	p0 =	sne.s32 s15, s9  }
.Ltmp2:
0x2c: {  	[bflag:$0x0] =	sbarrier.arrive $0xFFFF;
	(pc) =	sbr.rel @p0 .LBB2_1-.Ltmp2, $4  }
0x2d: {  	[hbm:s8], [sflag:s6] =	dma.local [spmem:s10], $0x2780  }
0x2e: {  	_ =	swait.ge [sflag:s11], $0x2780  }
0x2f: {  	[sflag:s11] =	ssyncset.done $0x0  }
0x30: {  	[sflag:s11] =	ssyncadd.s32 $0xFFFFD880  }
0x31: {  	_ =	sfence.sel $0x180000  }
0x32: {  	[bflag:$0x0] =	sbarrier.arrive $0xFFFF  }
0x33: {  	p0 =	sne.s32 s1, $0x0;
	_ =	strace $0x90000047  }
0x34: {  	s0 =	sadd.s32 @!p0 $0x100000, s0;
	[bflag:$0x2] =	sbarrier.arrive $0xFFFF  }
0x35: {  	[sflag:s0] =	ssyncadd.tile.s32 @!p0 $0x1;
	_ =	shalt  }
.Lfunc_end2:
_tile_overlayer_lowered:
.L_overlay_start_2:
0x36: {  	(tag) =	ssettag $0x2  }
0x37: {  	s0 =	rddreg [dreg:$0x0];
	s2 =	stileid.u32  }
0x38: {  	s1 =	rddreg [dreg:$0x1];
	p0 =	sne.s32 s2, $0x0  }
0x39: {  	s3 =	rddreg [dreg:$0x2];
	[bflag:$0x3] =	sbarrier.arrive $0xFFFF;
	s2 =	simm.s32 @!p0 $0x1C02  }
0x3a: {  	[timem:s3], [sflag:s2] =	dma.local @!p0 [hbm:s0], s1  }
0x3b: {  	s0 =	simm.s32 @!p0 $0x2  }
0x3c: {  	_ =	swait.ge @!p0 [sflag:s0], s1  }
0x3d: {  	s1 =	ssub.s32 @!p0 $0x0, s1;
	[sflag:s0] =	ssyncset.done @!p0 $0x0  }
0x3e: {  	[sflag:s0] =	ssyncadd.s32 @!p0 s1  }
0x3f: {  	[bflag:$0x3] =	sbarrier.arrive $0xFFFF  }
0x40: {  	_ =	shalt  }

</sc_bundles>
